<compile_context>
chip_gen: v7x
topology: tpu7x:2x2x1
jax: 0.10.2.dev20260603
libtpu: 0.0.44.dev20260713+nightly
codegen_flags: <defaults>
</compile_context>

<pallas_src>
import functools

import jax
import jax.numpy as jnp
from jax import lax
from jax.experimental import pallas as pl
from jax.experimental.pallas import tpu as pltpu
from jax.experimental.pallas import tpu_sc as plsc

N, D, G, GD, BIG, BIGGER, OUT, K = 4096, 128, 16, 16, 256, 512, 1, 16
EPS = 1e-5

RB = 256
NB = 512
SC_WORKERS = 32
SC_CHUNK = 512


def _prep_body(x_ref, w1_ref, g_ref, b_ref, xn_ref, a_ref):
    x = x_ref[...]
    mu = jnp.mean(x, axis=0, keepdims=True)
    xc = x - mu
    var = jnp.mean(xc * xc, axis=0, keepdims=True)
    xn = xc / jnp.sqrt(var + EPS) * g_ref[...] + b_ref[...]
    xn_ref[...] = xn
    w1t = w1_ref[:D, :]
    w1b = w1_ref[D:, :]
    a_ref[...] = jnp.dot(xn, w1t - w1b, preferred_element_type=jnp.float32)


def _prep(x, W1, bn_gamma, bn_beta):
    return pl.pallas_call(
        _prep_body,
        out_shape=(
            jax.ShapeDtypeStruct((N, D), jnp.float32),
            jax.ShapeDtypeStruct((N, BIG), jnp.float32),
        ),
    )(x, W1, bn_gamma.reshape(1, D), bn_beta.reshape(1, D))


WIN = 1280
WB = 256


def _topk_win_body(c0_ref, xnb_ref, x0, x1, x2, x3, x4, bfb_ref,
                   r0, r1, r2, r3, r4, idx_ref):
    i = pl.program_id(0)
    c0 = c0_ref[i] * WB
    xnw = jnp.concatenate([x0[...], x1[...], x2[...], x3[...], x4[...]], axis=0)
    bfr = jnp.concatenate([r0[...], r1[...], r2[...], r3[...], r4[...]], axis=1)
    xnb = xnb_ref[...]
    sqb = jnp.sum(xnb * xnb, axis=1, keepdims=True)
    ysq = xnw * xnw
    sqr = jnp.dot(jnp.ones((1, D), jnp.float32), ysq.T,
                  preferred_element_type=jnp.float32)
    dist = sqb + sqr - 2.0 * jnp.dot(xnb, xnw.T, preferred_element_type=jnp.float32)
    cross = bfb_ref[...] != bfr
    d = jnp.maximum(jnp.where(cross, 1e10, dist), 0.0)
    iota = lax.broadcasted_iota(jnp.int32, (RB, WIN), 1)
    p = (lax.bitcast_convert_type(d, jnp.int32) & jnp.int32(-2048)) | iota
    big = jnp.int32(0x7FFFFFFF)
    pm = jnp.min(p, axis=1, keepdims=True)
    idx_ref[:, 0:1] = (pm & 2047) + c0
    for k in range(1, K):
        pm = jnp.min(jnp.where(p > pm, p, big), axis=1, keepdims=True)
        idx_ref[:, k:k + 1] = (pm & 2047) + c0


def _topk_win(xn, batchf_col, batchf_row, c0_blocks):
    grid_spec = pltpu.PrefetchScalarGridSpec(
        num_scalar_prefetch=1,
        grid=(N // RB,),
        in_specs=[
            pl.BlockSpec((RB, D), lambda i, c0: (i, 0)),
        ] + [
            pl.BlockSpec((WB, D), functools.partial(
                lambda j, i, c0: (c0[i] + j, 0), j)) for j in range(5)
        ] + [
            pl.BlockSpec((RB, 1), lambda i, c0: (i, 0)),
        ] + [
            pl.BlockSpec((1, WB), functools.partial(
                lambda j, i, c0: (0, c0[i] + j), j)) for j in range(5)
        ],
        out_specs=pl.BlockSpec((RB, K), lambda i, c0: (i, 0)),
    )
    return pl.pallas_call(
        _topk_win_body,
        grid_spec=grid_spec,
        out_shape=jax.ShapeDtypeStruct((N, K), jnp.int32),
    )(c0_blocks, xn, xn, xn, xn, xn, xn, batchf_col,
      batchf_row, batchf_row, batchf_row, batchf_row, batchf_row)


def _topk_body(xnb_ref, xn_ref, bfb_ref, bfr_ref, idx_ref):
    xnb = xnb_ref[...]
    xn = xn_ref[...]
    sqb = jnp.sum(xnb * xnb, axis=1, keepdims=True)
    ysq = xn * xn
    sqr = jnp.dot(jnp.ones((1, D), jnp.float32), ysq.T,
                  preferred_element_type=jnp.float32)
    dist = sqb + sqr - 2.0 * jnp.dot(xnb, xn.T, preferred_element_type=jnp.float32)
    cross = bfb_ref[...] != bfr_ref[...]
    d = jnp.where(cross, 1e10, dist)
    iota = lax.broadcasted_iota(jnp.int32, (RB, N), 1)
    inf = jnp.float32(jnp.inf)
    for k in range(K):
        m = jnp.min(d, axis=1, keepdims=True)
        amin = jnp.min(jnp.where(d == m, iota, N), axis=1, keepdims=True)
        idx_ref[:, k:k + 1] = amin
        d = jnp.where(iota == amin, inf, d)


def _topk(xn, batchf_col, batchf_row):
    return pl.pallas_call(
        _topk_body,
        grid=(N // RB,),
        in_specs=[
            pl.BlockSpec((RB, D), lambda i: (i, 0)),
            pl.BlockSpec((N, D), lambda i: (0, 0)),
            pl.BlockSpec((RB, 1), lambda i: (i, 0)),
            pl.BlockSpec((1, N), lambda i: (0, 0)),
        ],
        out_specs=pl.BlockSpec((RB, K), lambda i: (i, 0)),
        out_shape=jax.ShapeDtypeStruct((N, K), jnp.int32),
    )(xn, xn, batchf_col, batchf_row)


def _sc_gather_body(nrows, table_hbm, idx_hbm, out_hbm, idx_v, rows_v, sem):
    wid = lax.axis_index("s") * 2 + lax.axis_index("c")
    per_w = nrows // SC_WORKERS
    base = wid * per_w

    def chunk(c, _):
        off = pl.multiple_of(base + c * SC_CHUNK, SC_CHUNK)
        pltpu.sync_copy(idx_hbm.at[pl.ds(off, SC_CHUNK)], idx_v)
        pltpu.async_copy(table_hbm.at[idx_v], rows_v, sem).wait()
        pltpu.sync_copy(rows_v, out_hbm.at[pl.ds(off, SC_CHUNK)])
        return _

    lax.fori_loop(0, per_w // SC_CHUNK, chunk, None)


def _sc_gather(table, idx_flat):
    nrows = idx_flat.shape[0]
    mesh = plsc.VectorSubcoreMesh(core_axis_name="c", subcore_axis_name="s")
    kfn = functools.partial(
        pl.kernel,
        mesh=mesh,
        out_type=jax.ShapeDtypeStruct((nrows, D), jnp.float32),
        scratch_types=[
            pltpu.VMEM((SC_CHUNK,), jnp.int32),
            pltpu.VMEM((SC_CHUNK, D), jnp.float32),
            pltpu.SemaphoreType.DMA,
        ],
    )(functools.partial(_sc_gather_body, nrows))
    return kfn(table, idx_flat)


def _edge_body(a_ref, xj_ref, bfb_ref, w1b_ref, w2_ref, w3_ref,
               b1_ref, b2_ref, b3_ref, seg_ref, cnt_ref):
    @pl.when(pl.program_id(0) == 0)
    def _init():
        seg_ref[...] = jnp.zeros_like(seg_ref)
        cnt_ref[...] = jnp.zeros_like(cnt_ref)

    a = a_ref[...]
    a_rep = jnp.broadcast_to(a[:, None, :], (NB, K, BIG)).reshape(NB * K, BIG)
    bj = jnp.dot(xj_ref[...], w1b_ref[...], preferred_element_type=jnp.float32)
    h1 = jnp.maximum(a_rep + bj + b1_ref[...], 0.0)
    h2 = jnp.maximum(jnp.dot(h1, w2_ref[...], preferred_element_type=jnp.float32)
                     + b2_ref[...], 0.0)
    h3 = jnp.maximum(jnp.dot(h2, w3_ref[...], preferred_element_type=jnp.float32)
                     + b3_ref[...], 0.0)
    hx = jnp.mean(h3.reshape(NB, K, BIG), axis=1)
    gids = lax.broadcasted_iota(jnp.int32, (1, G), 1).astype(jnp.float32)
    onehot = (bfb_ref[...] == gids).astype(jnp.float32)
    seg_ref[...] += lax.dot_general(onehot, hx, (((0,), (0,)), ((), ())),
                                    preferred_element_type=jnp.float32)
    cnt_ref[...] += jnp.broadcast_to(
        jnp.sum(onehot, axis=0)[:, None], (G, BIG))


def _edge(A, XJ, batchf_col, W1b, W2, W3, b1, b2, b3):
    return pl.pallas_call(
        _edge_body,
        grid=(N // NB,),
        in_specs=[
            pl.BlockSpec((NB, BIG), lambda i: (i, 0)),
            pl.BlockSpec((NB * K, D), lambda i: (i, 0)),
            pl.BlockSpec((NB, 1), lambda i: (i, 0)),
            pl.BlockSpec((D, BIG), lambda i: (0, 0)),
            pl.BlockSpec((BIG, BIG), lambda i: (0, 0)),
            pl.BlockSpec((BIG, BIG), lambda i: (0, 0)),
            pl.BlockSpec((1, BIG), lambda i: (0, 0)),
            pl.BlockSpec((1, BIG), lambda i: (0, 0)),
            pl.BlockSpec((1, BIG), lambda i: (0, 0)),
        ],
        out_specs=(
            pl.BlockSpec((G, BIG), lambda i: (0, 0)),
            pl.BlockSpec((G, BIG), lambda i: (0, 0)),
        ),
        out_shape=(
            jax.ShapeDtypeStruct((G, BIG), jnp.float32),
            jax.ShapeDtypeStruct((G, BIG), jnp.float32),
        ),
    )(A, XJ, batchf_col, W1b, W2, W3,
      b1.reshape(1, BIG), b2.reshape(1, BIG), b3.reshape(1, BIG))


def _head_body(u_ref, gg_ref, gb_ref, seg_ref, cnt_ref,
               o1w_ref, o1b_ref, o2w_ref, o2b_ref, o3w_ref, o3b_ref, out_ref):
    u = u_ref[...]
    mu = jnp.mean(u, axis=0, keepdims=True)
    uc = u - mu
    var = jnp.mean(uc * uc, axis=0, keepdims=True)
    u1 = uc / jnp.sqrt(var + EPS) * gg_ref[...] + gb_ref[...]
    u2 = seg_ref[...] / jnp.maximum(cnt_ref[...], 1.0)
    uu = jnp.concatenate([u1, u2], axis=1)
    o = jnp.maximum(jnp.dot(uu, o1w_ref[...], preferred_element_type=jnp.float32)
                    + o1b_ref[...], 0.0)
    o = jnp.maximum(jnp.dot(o, o2w_ref[...], preferred_element_type=jnp.float32)
                    + o2b_ref[...], 0.0)
    out_ref[...] = jnp.dot(o, o3w_ref[...], preferred_element_type=jnp.float32) \
        + o3b_ref[...]


def _head(u, bng_gamma, bng_beta, seg, cnt, O1, o1, O2, o2, O3, o3):
    return pl.pallas_call(
        _head_body,
        out_shape=jax.ShapeDtypeStruct((G, OUT), jnp.float32),
    )(u, bng_gamma.reshape(1, GD), bng_beta.reshape(1, GD), seg, cnt,
      O1, o1.reshape(1, BIGGER), O2, o2.reshape(1, BIGGER), O3,
      o3.reshape(1, OUT))


def kernel(x, u, batch, bn_gamma, bn_beta, bng_gamma, bng_beta,
           W1, b1, W2, b2, W3, b3, O1, o1, O2, o2, O3, o3):
    batchf = batch.astype(jnp.float32)
    xn, A = _prep(x, W1, bn_gamma, bn_beta)

    gid = jnp.arange(G, dtype=jnp.int32)
    counts = jnp.sum(batch[None, :] == gid[:, None], axis=1)
    ends = jnp.cumsum(counts)
    starts = ends - counts
    rb_first = batch[::RB]
    rb_last = batch[RB - 1::RB]
    span = ends[rb_last] - starts[rb_first]
    win_ok = jnp.all(span <= WIN - WB) & jnp.all(counts >= K)
    c0_blocks = jnp.clip(starts[rb_first] // WB, 0, (N - WIN) // WB)

    bcol = batchf.reshape(N, 1)
    brow = batchf.reshape(1, N)
    c0b = c0_blocks.astype(jnp.int32)
    idx = lax.cond(
        win_ok,
        lambda: _topk_win(xn, bcol, brow, c0b),
        lambda: _topk(xn, bcol, brow),
    )
    XJ = _sc_gather(xn, idx.reshape(N * K))
    seg, cnt = _edge(A, XJ, bcol, W1[D:, :], W2, W3, b1, b2, b3)
    return _head(u, bng_gamma, bng_beta, seg, cnt, O1, o1, O2, o2, O3, o3)

# --- scband reference (transcript-rebuilt; emitter-appended) ---
"""Pipeline reference for scband-dynamic-edge-net-35244501631591 (READ-ONLY COPY).

The authoritative reference and input builder live on the scoring server;
editing this copy changes nothing except your own understanding.
"""

import jax, jax.numpy as jnp
import numpy as np

N, D, G, GD, BIG, BIGGER, OUT, K = 4096, 128, 16, 16, 256, 512, 1, 16
EPS = 1e-5


def setup_inputs(seed: int = 0) -> dict:
    key = jax.random.key(seed)
    ks = jax.random.split(key, 16)
    s = 0.05
    x = jax.random.normal(ks[0], (N, D), jnp.float32)
    batch = jnp.sort(jax.random.randint(ks[1], (N,), 0, G)).astype(jnp.int32)
    u = jax.random.normal(ks[2], (G, GD), jnp.float32)
    inp = {
        'x': x, 'u': u, 'batch': batch,
        'bn_gamma': jnp.ones((D,), jnp.float32), 'bn_beta': jnp.zeros((D,), jnp.float32),
        'bng_gamma': jnp.ones((GD,), jnp.float32), 'bng_beta': jnp.zeros((GD,), jnp.float32),
        'W1': jax.random.normal(ks[3], (2 * D, BIG), jnp.float32) * s, 'b1': jnp.zeros((BIG,), jnp.float32),
        'W2': jax.random.normal(ks[4], (BIG, BIG), jnp.float32) * s, 'b2': jnp.zeros((BIG,), jnp.float32),
        'W3': jax.random.normal(ks[5], (BIG, BIG), jnp.float32) * s, 'b3': jnp.zeros((BIG,), jnp.float32),
        'O1': jax.random.normal(ks[6], (BIG + GD, BIGGER), jnp.float32) * s, 'o1': jnp.zeros((BIGGER,), jnp.float32),
        'O2': jax.random.normal(ks[7], (BIGGER, BIGGER), jnp.float32) * s, 'o2': jnp.zeros((BIGGER,), jnp.float32),
        'O3': jax.random.normal(ks[8], (BIGGER, OUT), jnp.float32) * s, 'o3': jnp.zeros((OUT,), jnp.float32),
    }
    return inp


def _bn(v, gamma, beta):
    mu = jnp.mean(v, axis=0)
    var = jnp.var(v, axis=0)
    return (v - mu) / jnp.sqrt(var + EPS) * gamma + beta


def reference(x, u, batch, bn_gamma, bn_beta, bng_gamma, bng_beta,
              W1, b1, W2, b2, W3, b3, O1, o1, O2, o2, O3, o3):
    # BatchNorm1d on node features (training-mode batch stats)
    xn = _bn(x, bn_gamma, bn_beta)
    # Dynamic kNN graph in feature space, restricted within each graph in the batch
    sq = jnp.sum(xn * xn, axis=1)
    dist = sq[:, None] + sq[None, :] - 2.0 * (xn @ xn.T)
    cross = batch[:, None] != batch[None, :]
    dist = jnp.where(cross, 1e10, dist)
    _, idx = jax.lax.top_k(-dist, K)  # [N, K] nearest (includes self)
    # EdgeConv: nn(cat([x_i, x_j - x_i])) with mean aggregation over k neighbors
    xj = jnp.take(xn, idx, axis=0)          # [N, K, D]
    xi = jnp.broadcast_to(xn[:, None, :], (N, K, D))
    e = jnp.concatenate([xi, xj - xi], axis=-1)  # [N, K, 2D]
    h = jax.nn.relu(e @ W1 + b1)
    h = jax.nn.relu(h @ W2 + b2)
    h = jax.nn.relu(h @ W3 + b3)
    hx = jnp.mean(h, axis=1)                # [N, BIG]
    # Global features: batchnorm(u) concat scatter_mean(node feats by graph)
    u1 = _bn(u, bng_gamma, bng_beta)
    seg = jax.ops.segment_sum(hx, batch, num_segments=G)
    cnt = jax.ops.segment_sum(jnp.ones((N, 1), jnp.float32), batch, num_segments=G)
    u2 = seg / jnp.maximum(cnt, 1.0)
    uu = jnp.concatenate([u1, u2], axis=-1)
    o = jax.nn.relu(uu @ O1 + o1)
    o = jax.nn.relu(o @ O2 + o2)
    o = o @ O3 + o3
    return o

if __name__ == "__main__":
    import jax
    _d = setup_inputs()
    print(jax.jit(kernel)(*tuple(_d.values())))

</pallas_src>

<mosaic_0001>
#map = affine_map<(d0, d1) -> (0, 0)>
#map1 = affine_map<(d0, d1) -> (0)>
module attributes {stable_mosaic.version = 14 : i64} {
  func.func @_sc_gather_body(%arg0: i32, %arg1: i32, %arg2: memref<4096x128xf32, #tpu.memory_space<hbm>>, %arg3: memref<65536xi32, #tpu.memory_space<hbm>>, %arg4: memref<65536x128xf32, #tpu.memory_space<hbm>>, %arg5: memref<512xi32, #tpu.memory_space<vmem>>, %arg6: memref<512x128xf32, #tpu.memory_space<vmem>>, %arg7: memref<!tpu.dma_semaphore, #tpu.memory_space<semaphore_mem>>) attributes {dimension_semantics = [#tpu.dimension_semantics<core_parallel>, #tpu.dimension_semantics<subcore_parallel>], iteration_bounds = array<i64: 2, 16>, scalar_prefetch = 0 : i64, scratch_operands = 3 : i64, tpu.core_type = #tpu.core_type<sc_vector_subcore>, window_params = [{transform_indices = #map}, {transform_indices = #map1}, {transform_indices = #map}]} {
    %mul3A = arith.constant 2 : i32
    %mul3A_0 = arith.muli %arg1, %mul3A : i32
    %add3A = arith.addi %mul3A_0, %arg0 : i32
    %mul3A_1 = arith.constant 2048 : i32
    %mul3A_2 = arith.muli %add3A, %mul3A_1 : i32
    %scan3A = arith.constant 0 : i32
    %scan3A_3 = arith.constant 4 : i32
    %scan3A_4 = arith.addi %scan3A, %scan3A_3 : i32
    %scan3A_5 = arith.constant 1 : i32
    scf.for %scan3A_7 = %scan3A to %scan3A_4 step %scan3A_5  : i32 {
      %mul3A_8 = arith.constant 512 : i32
      %mul3A_9 = arith.muli %scan3A_7, %mul3A_8 : i32
      %add3A_10 = arith.addi %mul3A_2, %mul3A_9 : i32
      %multiple_of3A = tpu.assume_multiple %add3A_10, 512 : i32
      "tpu.region"() ({
        %run_scoped3A = tpu.sem_alloc : memref<!tpu.dma_semaphore, #tpu.memory_space<semaphore_mem>>
        %dma_start3A_15 = tpu.memref_slice %arg3[%multiple_of3A] : memref<65536xi32, #tpu.memory_space<hbm>> -> memref<512xi32, #tpu.memory_space<hbm>>
        %dma_start3A_16 = tpu.memref_slice %arg3[%multiple_of3A] : memref<65536xi32, #tpu.memory_space<hbm>> -> memref<512xi32, #tpu.memory_space<hbm>>
        tpu.enqueue_dma source(%dma_start3A_16 : memref<512xi32, #tpu.memory_space<hbm>>) target(%arg5 : memref<512xi32, #tpu.memory_space<vmem>>) target_semaphore(%run_scoped3A : memref<!tpu.dma_semaphore, #tpu.memory_space<semaphore_mem>>)
        %dma_wait3A_17 = tpu.memref_slice %arg3[%multiple_of3A] : memref<65536xi32, #tpu.memory_space<hbm>> -> memref<512xi32, #tpu.memory_space<hbm>>
        %dma_wait3A_18 = tpu.memref_slice %arg3[%multiple_of3A] : memref<65536xi32, #tpu.memory_space<hbm>> -> memref<512xi32, #tpu.memory_space<hbm>>
        tpu.wait_dma2 semaphore(%run_scoped3A : memref<!tpu.dma_semaphore, #tpu.memory_space<semaphore_mem>>) src(%dma_wait3A_18 : memref<512xi32, #tpu.memory_space<hbm>>) dst(%arg5 : memref<512xi32, #tpu.memory_space<vmem>>)
        tpu.yield
      }) : () -> ()
      %dma_start3A = arith.constant 0 : i32
      %dma_start3A_11 = arith.constant 0 : i32
      %dma_start3A_12 = tpu.memref_slice %arg2[%dma_start3A, %dma_start3A_11] : memref<4096x128xf32, #tpu.memory_space<hbm>> -> memref<4096x128xf32, #tpu.memory_space<hbm>>
      tpu.enqueue_indirect_dma source(%dma_start3A_12 : memref<4096x128xf32, #tpu.memory_space<hbm>>) target(%arg6 : memref<512x128xf32, #tpu.memory_space<vmem>>) offsets(%arg5 : memref<512xi32, #tpu.memory_space<vmem>>) semaphore(%arg7 : memref<!tpu.dma_semaphore, #tpu.memory_space<semaphore_mem>>)
      %dma_wait3A = arith.constant 0 : i32
      %dma_wait3A_13 = arith.constant 0 : i32
      %dma_wait3A_14 = tpu.memref_slice %arg2[%dma_wait3A, %dma_wait3A_13] : memref<4096x128xf32, #tpu.memory_space<hbm>> -> memref<4096x128xf32, #tpu.memory_space<hbm>>
      tpu.wait_indirect_dma semaphore(%arg7 : memref<!tpu.dma_semaphore, #tpu.memory_space<semaphore_mem>>) src(%dma_wait3A_14 : memref<4096x128xf32, #tpu.memory_space<hbm>>) dst(%arg6 : memref<512x128xf32, #tpu.memory_space<vmem>>)
      "tpu.region"() ({
        %run_scoped3A = tpu.sem_alloc : memref<!tpu.dma_semaphore, #tpu.memory_space<semaphore_mem>>
        %dma_start3A_15 = arith.constant 0 : i32
        %dma_start3A_16 = tpu.memref_slice %arg4[%multiple_of3A, %dma_start3A_15] : memref<65536x128xf32, #tpu.memory_space<hbm>> -> memref<512x128xf32, #tpu.memory_space<hbm>>
        %dma_start3A_17 = arith.constant 0 : i32
        %dma_start3A_18 = tpu.memref_slice %arg4[%multiple_of3A, %dma_start3A_17] : memref<65536x128xf32, #tpu.memory_space<hbm>> -> memref<512x128xf32, #tpu.memory_space<hbm>>
        tpu.enqueue_dma source(%arg6 : memref<512x128xf32, #tpu.memory_space<vmem>>) target(%dma_start3A_18 : memref<512x128xf32, #tpu.memory_space<hbm>>) target_semaphore(%run_scoped3A : memref<!tpu.dma_semaphore, #tpu.memory_space<semaphore_mem>>)
        %dma_wait3A_19 = arith.constant 0 : i32
        %dma_wait3A_20 = tpu.memref_slice %arg4[%multiple_of3A, %dma_wait3A_19] : memref<65536x128xf32, #tpu.memory_space<hbm>> -> memref<512x128xf32, #tpu.memory_space<hbm>>
        %dma_wait3A_21 = arith.constant 0 : i32
        %dma_wait3A_22 = tpu.memref_slice %arg4[%multiple_of3A, %dma_wait3A_21] : memref<65536x128xf32, #tpu.memory_space<hbm>> -> memref<512x128xf32, #tpu.memory_space<hbm>>
        tpu.wait_dma2 semaphore(%run_scoped3A : memref<!tpu.dma_semaphore, #tpu.memory_space<semaphore_mem>>) src(%arg6 : memref<512x128xf32, #tpu.memory_space<vmem>>) dst(%dma_wait3A_22 : memref<512x128xf32, #tpu.memory_space<hbm>>)
        tpu.yield
      }) : () -> ()
    }
    %scan3A_6 = arith.constant 4 : i32
    return
  }
}

module attributes {stable_mosaic.version = 14 : i64} {
  func.func @_prep_body(%arg0: memref<4096x128xf32, #tpu.memory_space<vmem>>, %arg1: memref<256x256xf32, #tpu.memory_space<vmem>>, %arg2: memref<1x128xf32, #tpu.memory_space<vmem>>, %arg3: memref<1x128xf32, #tpu.memory_space<vmem>>, %arg4: memref<4096x128xf32, #tpu.memory_space<vmem>>, %arg5: memref<4096x256xf32, #tpu.memory_space<vmem>>) attributes {dimension_semantics = [], scalar_prefetch = 0 : i64, scratch_operands = 0 : i64, tpu.core_type = #tpu.core_type<tc>} {
    %get3A = arith.constant 0 : index
    %get3A_0 = arith.constant 0 : index
    %get3A_1 = vector.load %arg0[%get3A, %get3A_0] : memref<4096x128xf32, #tpu.memory_space<vmem>>, vector<4096x128xf32>
    %reduce_sum3A = arith.constant dense<0.000000e+00> : vector<128xf32>
    %reduce_sum3A_2 = vector.multi_reduction <add>, %get3A_1, %reduce_sum3A [0] : vector<4096x128xf32> to vector<128xf32>
    %broadcast_in_dim3A = vector.shape_cast %reduce_sum3A_2 : vector<128xf32> to vector<1x128xf32>
    %div3A = arith.constant 4.096000e+03 : f32
    %div3A_3 = vector.broadcast %div3A : f32 to vector<1x128xf32>
    %div3A_4 = arith.divf %broadcast_in_dim3A, %div3A_3 : vector<1x128xf32>
    %sub3A = vector.broadcast %div3A_4 : vector<1x128xf32> to vector<4096x128xf32>
    %sub3A_5 = arith.subf %get3A_1, %sub3A : vector<4096x128xf32>
    %mul3A = arith.mulf %sub3A_5, %sub3A_5 : vector<4096x128xf32>
    %reduce_sum3A_6 = arith.constant dense<0.000000e+00> : vector<128xf32>
    %reduce_sum3A_7 = vector.multi_reduction <add>, %mul3A, %reduce_sum3A_6 [0] : vector<4096x128xf32> to vector<128xf32>
    %broadcast_in_dim3A_8 = vector.shape_cast %reduce_sum3A_7 : vector<128xf32> to vector<1x128xf32>
    %div3A_9 = arith.constant 4.096000e+03 : f32
    %div3A_10 = vector.broadcast %div3A_9 : f32 to vector<1x128xf32>
    %div3A_11 = arith.divf %broadcast_in_dim3A_8, %div3A_10 : vector<1x128xf32>
    %add3A = arith.constant 9.99999974E-6 : f32
    %add3A_12 = vector.broadcast %add3A : f32 to vector<1x128xf32>
    %add3A_13 = arith.addf %div3A_11, %add3A_12 : vector<1x128xf32>
    %sqrt3A = math.sqrt %add3A_13 : vector<1x128xf32>
    %div3A_14 = vector.broadcast %sqrt3A : vector<1x128xf32> to vector<4096x128xf32>
    %div3A_15 = arith.divf %sub3A_5, %div3A_14 : vector<4096x128xf32>
    %get3A_16 = arith.constant 0 : index
    %get3A_17 = arith.constant 0 : index
    %get3A_18 = vector.load %arg2[%get3A_16, %get3A_17] : memref<1x128xf32, #tpu.memory_space<vmem>>, vector<1x128xf32>
    %mul3A_19 = vector.broadcast %get3A_18 : vector<1x128xf32> to vector<4096x128xf32>
    %mul3A_20 = arith.mulf %div3A_15, %mul3A_19 : vector<4096x128xf32>
    %get3A_21 = arith.constant 0 : index
    %get3A_22 = arith.constant 0 : index
    %get3A_23 = vector.load %arg3[%get3A_21, %get3A_22] : memref<1x128xf32, #tpu.memory_space<vmem>>, vector<1x128xf32>
    %add3A_24 = vector.broadcast %get3A_23 : vector<1x128xf32> to vector<4096x128xf32>
    %add3A_25 = arith.addf %mul3A_20, %add3A_24 : vector<4096x128xf32>
    %swap3A = arith.constant 0 : index
    %swap3A_26 = arith.constant 0 : index
    %swap3A_27 = vector.load %arg4[%swap3A, %swap3A_26] : memref<4096x128xf32, #tpu.memory_space<vmem>>, vector<4096x128xf32>
    tpu.vector_store %arg4[%swap3A, %swap3A_26], %add3A_25 {strides = array<i32>} : memref<4096x128xf32, #tpu.memory_space<vmem>>, vector<4096x128xf32>,
    %get3A_28 = arith.constant 0 : index
    %get3A_29 = arith.constant 0 : index
    %get3A_30 = vector.load %arg1[%get3A_28, %get3A_29] : memref<256x256xf32, #tpu.memory_space<vmem>>, vector<128x256xf32>
    %get3A_31 = arith.constant 128 : index
    %get3A_32 = arith.constant 0 : index
    %get3A_33 = vector.load %arg1[%get3A_31, %get3A_32] : memref<256x256xf32, #tpu.memory_space<vmem>>, vector<128x256xf32>
    %sub3A_34 = arith.subf %get3A_30, %get3A_33 : vector<128x256xf32>
    %dot_general3A = arith.constant dense<0.000000e+00> : vector<4096x256xf32>
    %dot_general3A_35 = tpu.matmul %add3A_25, %sub3A_34, %dot_general3A {dimension_numbers = #tpu.dot_dimension_numbers<[1], [0], [0], [1], [0, 0, 1, 1], [], []>, transpose_lhs_hint = false} : vector<4096x128xf32>, vector<128x256xf32>, vector<4096x256xf32> -> vector<4096x256xf32>
    %swap3A_36 = arith.constant 0 : index
    %swap3A_37 = arith.constant 0 : index
    %swap3A_38 = vector.load %arg5[%swap3A_36, %swap3A_37] : memref<4096x256xf32, #tpu.memory_space<vmem>>, vector<4096x256xf32>
    tpu.vector_store %arg5[%swap3A_36, %swap3A_37], %dot_general3A_35 {strides = array<i32>} : memref<4096x256xf32, #tpu.memory_space<vmem>>, vector<4096x256xf32>,
    return
  }
}

module attributes {stable_mosaic.version = 14 : i64} {
  func.func @_topk_body(%arg0: i32, %arg1: memref<256x128xf32, #tpu.memory_space<vmem>>, %arg2: memref<4096x128xf32, #tpu.memory_space<vmem>>, %arg3: memref<256x1xf32, #tpu.memory_space<vmem>>, %arg4: memref<1x4096xf32, #tpu.memory_space<vmem>>, %arg5: memref<256x16xi32, #tpu.memory_space<vmem>>) attributes {dimension_semantics = [#tpu.dimension_semantics<arbitrary>], iteration_bounds = array<i64: 16>, scalar_prefetch = 0 : i64, scratch_operands = 0 : i64, tpu.core_type = #tpu.core_type<tc>, window_params = [{transform_indices = @transform_0, window_bounds = array<i64: 256, 128>}, {pipeline_mode = #tpu.pipeline_mode<synchronous>, transform_indices = @transform_1, window_bounds = array<i64: 4096, 128>}, {transform_indices = @transform_2, window_bounds = array<i64: 256, 1>}, {pipeline_mode = #tpu.pipeline_mode<synchronous>, transform_indices = @transform_3, window_bounds = array<i64: 1, 4096>}, {transform_indices = @transform_4, window_bounds = array<i64: 256, 16>}]} {
    %get3A = arith.constant 0 : index
    %get3A_0 = arith.constant 0 : index
    %get3A_1 = vector.load %arg1[%get3A, %get3A_0] : memref<256x128xf32, #tpu.memory_space<vmem>>, vector<256x128xf32>
    %get3A_2 = arith.constant 0 : index
    %get3A_3 = arith.constant 0 : index
    %get3A_4 = vector.load %arg2[%get3A_2, %get3A_3] : memref<4096x128xf32, #tpu.memory_space<vmem>>, vector<4096x128xf32>
    %mul3A = arith.mulf %get3A_1, %get3A_1 : vector<256x128xf32>
    %reduce_sum3A = arith.constant dense<0.000000e+00> : vector<256xf32>
    %reduce_sum3A_5 = vector.multi_reduction <add>, %mul3A, %reduce_sum3A [1] : vector<256x128xf32> to vector<256xf32>
    %broadcast_in_dim3A = vector.shape_cast %reduce_sum3A_5 : vector<256xf32> to vector<256x1xf32>
    %mul3A_6 = arith.mulf %get3A_4, %get3A_4 : vector<4096x128xf32>
    %broadcast_in_dim3A_7 = arith.constant 1.000000e+00 : f32
    %broadcast_in_dim3A_8 = vector.broadcast %broadcast_in_dim3A_7 : f32 to vector<1x128xf32>
    %transpose3A = tpu.transpose %mul3A_6, [1, 0] : vector<4096x128xf32> -> vector<128x4096xf32>
    %dot_general3A = arith.constant dense<0.000000e+00> : vector<1x4096xf32>
    %dot_general3A_9 = tpu.matmul %broadcast_in_dim3A_8, %transpose3A, %dot_general3A {dimension_numbers = #tpu.dot_dimension_numbers<[1], [0], [0], [1], [0, 0, 1, 1], [], []>, transpose_lhs_hint = false} : vector<1x128xf32>, vector<128x4096xf32>, vector<1x4096xf32> -> vector<1x4096xf32>
    %add3A = vector.broadcast %broadcast_in_dim3A : vector<256x1xf32> to vector<256x4096xf32>
    %add3A_10 = vector.broadcast %dot_general3A_9 : vector<1x4096xf32> to vector<256x4096xf32>
    %add3A_11 = arith.addf %add3A, %add3A_10 : vector<256x4096xf32>
    %transpose3A_12 = tpu.transpose %get3A_4, [1, 0] : vector<4096x128xf32> -> vector<128x4096xf32>
    %dot_general3A_13 = arith.constant dense<0.000000e+00> : vector<256x4096xf32>
    %dot_general3A_14 = tpu.matmul %get3A_1, %transpose3A_12, %dot_general3A_13 {dimension_numbers = #tpu.dot_dimension_numbers<[1], [0], [0], [1], [0, 0, 1, 1], [], []>, transpose_lhs_hint = false} : vector<256x128xf32>, vector<128x4096xf32>, vector<256x4096xf32> -> vector<256x4096xf32>
    %mul3A_15 = arith.constant 2.000000e+00 : f32
    %mul3A_16 = vector.broadcast %mul3A_15 : f32 to vector<256x4096xf32>
    %mul3A_17 = arith.mulf %mul3A_16, %dot_general3A_14 : vector<256x4096xf32>
    %sub3A = arith.subf %add3A_11, %mul3A_17 : vector<256x4096xf32>
    %get3A_18 = arith.constant 0 : index
    %get3A_19 = arith.constant 0 : index
    %get3A_20 = vector.load %arg3[%get3A_18, %get3A_19] : memref<256x1xf32, #tpu.memory_space<vmem>>, vector<256x1xf32>
    %get3A_21 = arith.constant 0 : index
    %get3A_22 = arith.constant 0 : index
    %get3A_23 = vector.load %arg4[%get3A_21, %get3A_22] : memref<1x4096xf32, #tpu.memory_space<vmem>>, vector<1x4096xf32>
    %ne3A = vector.broadcast %get3A_20 : vector<256x1xf32> to vector<256x4096xf32>
    %ne3A_24 = vector.broadcast %get3A_23 : vector<1x4096xf32> to vector<256x4096xf32>
    %ne3A_25 = arith.cmpf one, %ne3A, %ne3A_24 : vector<256x4096xf32>
    %jit3A = arith.constant 1.000000e+10 : f32
    %broadcast_in_dim3A_26 = vector.broadcast %jit3A : f32 to vector<256x4096xf32>
    %select_n3A = arith.select %ne3A_25, %broadcast_in_dim3A_26, %sub3A : vector<256x4096xi1>, vector<256x4096xf32>
    %iota3A = tpu.iota {dimensions = array<i32: 1>} : vector<256x4096xi32>
    %reduce_min3A = arith.constant dense<0x7F800000> : vector<256xf32>
    %reduce_min3A_27 = vector.multi_reduction <minimumf>, %select_n3A, %reduce_min3A [1] : vector<256x4096xf32> to vector<256xf32>
    %broadcast_in_dim3A_28 = vector.shape_cast %reduce_min3A_27 : vector<256xf32> to vector<256x1xf32>
    %eq3A = vector.broadcast %broadcast_in_dim3A_28 : vector<256x1xf32> to vector<256x4096xf32>
    %eq3A_29 = arith.cmpf oeq, %select_n3A, %eq3A : vector<256x4096xf32>
    %jit3A_30 = arith.constant 4096 : i32
    %broadcast_in_dim3A_31 = vector.broadcast %jit3A_30 : i32 to vector<256x4096xi32>
    %select_n3A_32 = arith.select %eq3A_29, %iota3A, %broadcast_in_dim3A_31 : vector<256x4096xi1>, vector<256x4096xi32>
    %reduce_min3A_33 = arith.constant dense<2147483647> : vector<256xi32>
    %reduce_min3A_34 = vector.multi_reduction <minsi>, %select_n3A_32, %reduce_min3A_33 [1] : vector<256x4096xi32> to vector<256xi32>
    %broadcast_in_dim3A_35 = vector.shape_cast %reduce_min3A_34 : vector<256xi32> to vector<256x1xi32>
    %swap3A = arith.constant 0 : index
    %swap3A_36 = arith.constant 0 : index
    %swap3A_37 = vector.load %arg5[%swap3A, %swap3A_36] : memref<256x16xi32, #tpu.memory_space<vmem>>, vector<256x1xi32>
    tpu.vector_store %arg5[%swap3A, %swap3A_36], %broadcast_in_dim3A_35 {strides = array<i32>} : memref<256x16xi32, #tpu.memory_space<vmem>>, vector<256x1xi32>,
    %eq3A_38 = vector.broadcast %broadcast_in_dim3A_35 : vector<256x1xi32> to vector<256x4096xi32>
    %eq3A_39 = arith.cmpi eq, %iota3A, %eq3A_38 : vector<256x4096xi32>
    %jit3A_40 = arith.constant 0x7F800000 : f32
    %broadcast_in_dim3A_41 = vector.broadcast %jit3A_40 : f32 to vector<256x4096xf32>
    %select_n3A_42 = arith.select %eq3A_39, %broadcast_in_dim3A_41, %select_n3A : vector<256x4096xi1>, vector<256x4096xf32>
    %reduce_min3A_43 = arith.constant dense<0x7F800000> : vector<256xf32>
    %reduce_min3A_44 = vector.multi_reduction <minimumf>, %select_n3A_42, %reduce_min3A_43 [1] : vector<256x4096xf32> to vector<256xf32>
    %broadcast_in_dim3A_45 = vector.shape_cast %reduce_min3A_44 : vector<256xf32> to vector<256x1xf32>
    %eq3A_46 = vector.broadcast %broadcast_in_dim3A_45 : vector<256x1xf32> to vector<256x4096xf32>
    %eq3A_47 = arith.cmpf oeq, %select_n3A_42, %eq3A_46 : vector<256x4096xf32>
    %jit3A_48 = arith.constant 4096 : i32
    %broadcast_in_dim3A_49 = vector.broadcast %jit3A_48 : i32 to vector<256x4096xi32>
    %select_n3A_50 = arith.select %eq3A_47, %iota3A, %broadcast_in_dim3A_49 : vector<256x4096xi1>, vector<256x4096xi32>
    %reduce_min3A_51 = arith.constant dense<2147483647> : vector<256xi32>
    %reduce_min3A_52 = vector.multi_reduction <minsi>, %select_n3A_50, %reduce_min3A_51 [1] : vector<256x4096xi32> to vector<256xi32>
    %broadcast_in_dim3A_53 = vector.shape_cast %reduce_min3A_52 : vector<256xi32> to vector<256x1xi32>
    %swap3A_54 = arith.constant 0 : index
    %swap3A_55 = arith.constant 1 : index
    %swap3A_56 = vector.load %arg5[%swap3A_54, %swap3A_55] : memref<256x16xi32, #tpu.memory_space<vmem>>, vector<256x1xi32>
    tpu.vector_store %arg5[%swap3A_54, %swap3A_55], %broadcast_in_dim3A_53 {strides = array<i32>} : memref<256x16xi32, #tpu.memory_space<vmem>>, vector<256x1xi32>,
    %eq3A_57 = vector.broadcast %broadcast_in_dim3A_53 : vector<256x1xi32> to vector<256x4096xi32>
    %eq3A_58 = arith.cmpi eq, %iota3A, %eq3A_57 : vector<256x4096xi32>
    %jit3A_59 = arith.constant 0x7F800000 : f32
    %broadcast_in_dim3A_60 = vector.broadcast %jit3A_59 : f32 to vector<256x4096xf32>
    %select_n3A_61 = arith.select %eq3A_58, %broadcast_in_dim3A_60, %select_n3A_42 : vector<256x4096xi1>, vector<256x4096xf32>
    %reduce_min3A_62 = arith.constant dense<0x7F800000> : vector<256xf32>
    %reduce_min3A_63 = vector.multi_reduction <minimumf>, %select_n3A_61, %reduce_min3A_62 [1] : vector<256x4096xf32> to vector<256xf32>
    %broadcast_in_dim3A_64 = vector.shape_cast %reduce_min3A_63 : vector<256xf32> to vector<256x1xf32>
    %eq3A_65 = vector.broadcast %broadcast_in_dim3A_64 : vector<256x1xf32> to vector<256x4096xf32>
    %eq3A_66 = arith.cmpf oeq, %select_n3A_61, %eq3A_65 : vector<256x4096xf32>
    %jit3A_67 = arith.constant 4096 : i32
    %broadcast_in_dim3A_68 = vector.broadcast %jit3A_67 : i32 to vector<256x4096xi32>
    %select_n3A_69 = arith.select %eq3A_66, %iota3A, %broadcast_in_dim3A_68 : vector<256x4096xi1>, vector<256x4096xi32>
    %reduce_min3A_70 = arith.constant dense<2147483647> : vector<256xi32>
    %reduce_min3A_71 = vector.multi_reduction <minsi>, %select_n3A_69, %reduce_min3A_70 [1] : vector<256x4096xi32> to vector<256xi32>
    %broadcast_in_dim3A_72 = vector.shape_cast %reduce_min3A_71 : vector<256xi32> to vector<256x1xi32>
    %swap3A_73 = arith.constant 0 : index
    %swap3A_74 = arith.constant 2 : index
    %swap3A_75 = vector.load %arg5[%swap3A_73, %swap3A_74] : memref<256x16xi32, #tpu.memory_space<vmem>>, vector<256x1xi32>
    tpu.vector_store %arg5[%swap3A_73, %swap3A_74], %broadcast_in_dim3A_72 {strides = array<i32>} : memref<256x16xi32, #tpu.memory_space<vmem>>, vector<256x1xi32>,
    %eq3A_76 = vector.broadcast %broadcast_in_dim3A_72 : vector<256x1xi32> to vector<256x4096xi32>
    %eq3A_77 = arith.cmpi eq, %iota3A, %eq3A_76 : vector<256x4096xi32>
    %jit3A_78 = arith.constant 0x7F800000 : f32
    %broadcast_in_dim3A_79 = vector.broadcast %jit3A_78 : f32 to vector<256x4096xf32>
    %select_n3A_80 = arith.select %eq3A_77, %broadcast_in_dim3A_79, %select_n3A_61 : vector<256x4096xi1>, vector<256x4096xf32>
    %reduce_min3A_81 = arith.constant dense<0x7F800000> : vector<256xf32>
    %reduce_min3A_82 = vector.multi_reduction <minimumf>, %select_n3A_80, %reduce_min3A_81 [1] : vector<256x4096xf32> to vector<256xf32>
    %broadcast_in_dim3A_83 = vector.shape_cast %reduce_min3A_82 : vector<256xf32> to vector<256x1xf32>
    %eq3A_84 = vector.broadcast %broadcast_in_dim3A_83 : vector<256x1xf32> to vector<256x4096xf32>
    %eq3A_85 = arith.cmpf oeq, %select_n3A_80, %eq3A_84 : vector<256x4096xf32>
    %jit3A_86 = arith.constant 4096 : i32
    %broadcast_in_dim3A_87 = vector.broadcast %jit3A_86 : i32 to vector<256x4096xi32>
    %select_n3A_88 = arith.select %eq3A_85, %iota3A, %broadcast_in_dim3A_87 : vector<256x4096xi1>, vector<256x4096xi32>
    %reduce_min3A_89 = arith.constant dense<2147483647> : vector<256xi32>
    %reduce_min3A_90 = vector.multi_reduction <minsi>, %select_n3A_88, %reduce_min3A_89 [1] : vector<256x4096xi32> to vector<256xi32>
    %broadcast_in_dim3A_91 = vector.shape_cast %reduce_min3A_90 : vector<256xi32> to vector<256x1xi32>
    %swap3A_92 = arith.constant 0 : index
    %swap3A_93 = arith.constant 3 : index
    %swap3A_94 = vector.load %arg5[%swap3A_92, %swap3A_93] : memref<256x16xi32, #tpu.memory_space<vmem>>, vector<256x1xi32>
    tpu.vector_store %arg5[%swap3A_92, %swap3A_93], %broadcast_in_dim3A_91 {strides = array<i32>} : memref<256x16xi32, #tpu.memory_space<vmem>>, vector<256x1xi32>,
    %eq3A_95 = vector.broadcast %broadcast_in_dim3A_91 : vector<256x1xi32> to vector<256x4096xi32>
    %eq3A_96 = arith.cmpi eq, %iota3A, %eq3A_95 : vector<256x4096xi32>
    %jit3A_97 = arith.constant 0x7F800000 : f32
    %broadcast_in_dim3A_98 = vector.broadcast %jit3A_97 : f32 to vector<256x4096xf32>
    %select_n3A_99 = arith.select %eq3A_96, %broadcast_in_dim3A_98, %select_n3A_80 : vector<256x4096xi1>, vector<256x4096xf32>
    %reduce_min3A_100 = arith.constant dense<0x7F800000> : vector<256xf32>
    %reduce_min3A_101 = vector.multi_reduction <minimumf>, %select_n3A_99, %reduce_min3A_100 [1] : vector<256x4096xf32> to vector<256xf32>
    %broadcast_in_dim3A_102 = vector.shape_cast %reduce_min3A_101 : vector<256xf32> to vector<256x1xf32>
    %eq3A_103 = vector.broadcast %broadcast_in_dim3A_102 : vector<256x1xf32> to vector<256x4096xf32>
    %eq3A_104 = arith.cmpf oeq, %select_n3A_99, %eq3A_103 : vector<256x4096xf32>
    %jit3A_105 = arith.constant 4096 : i32
    %broadcast_in_dim3A_106 = vector.broadcast %jit3A_105 : i32 to vector<256x4096xi32>
    %select_n3A_107 = arith.select %eq3A_104, %iota3A, %broadcast_in_dim3A_106 : vector<256x4096xi1>, vector<256x4096xi32>
    %reduce_min3A_108 = arith.constant dense<2147483647> : vector<256xi32>
    %reduce_min3A_109 = vector.multi_reduction <minsi>, %select_n3A_107, %reduce_min3A_108 [1] : vector<256x4096xi32> to vector<256xi32>
    %broadcast_in_dim3A_110 = vector.shape_cast %reduce_min3A_109 : vector<256xi32> to vector<256x1xi32>
    %swap3A_111 = arith.constant 0 : index
    %swap3A_112 = arith.constant 4 : index
    %swap3A_113 = vector.load %arg5[%swap3A_111, %swap3A_112] : memref<256x16xi32, #tpu.memory_space<vmem>>, vector<256x1xi32>
    tpu.vector_store %arg5[%swap3A_111, %swap3A_112], %broadcast_in_dim3A_110 {strides = array<i32>} : memref<256x16xi32, #tpu.memory_space<vmem>>, vector<256x1xi32>,
    %eq3A_114 = vector.broadcast %broadcast_in_dim3A_110 : vector<256x1xi32> to vector<256x4096xi32>
    %eq3A_115 = arith.cmpi eq, %iota3A, %eq3A_114 : vector<256x4096xi32>
    %jit3A_116 = arith.constant 0x7F800000 : f32
    %broadcast_in_dim3A_117 = vector.broadcast %jit3A_116 : f32 to vector<256x4096xf32>
    %select_n3A_118 = arith.select %eq3A_115, %broadcast_in_dim3A_117, %select_n3A_99 : vector<256x4096xi1>, vector<256x4096xf32>
    %reduce_min3A_119 = arith.constant dense<0x7F800000> : vector<256xf32>
    %reduce_min3A_120 = vector.multi_reduction <minimumf>, %select_n3A_118, %reduce_min3A_119 [1] : vector<256x4096xf32> to vector<256xf32>
    %broadcast_in_dim3A_121 = vector.shape_cast %reduce_min3A_120 : vector<256xf32> to vector<256x1xf32>
    %eq3A_122 = vector.broadcast %broadcast_in_dim3A_121 : vector<256x1xf32> to vector<256x4096xf32>
    %eq3A_123 = arith.cmpf oeq, %select_n3A_118, %eq3A_122 : vector<256x4096xf32>
    %jit3A_124 = arith.constant 4096 : i32
    %broadcast_in_dim3A_125 = vector.broadcast %jit3A_124 : i32 to vector<256x4096xi32>
    %select_n3A_126 = arith.select %eq3A_123, %iota3A, %broadcast_in_dim3A_125 : vector<256x4096xi1>, vector<256x4096xi32>
    %reduce_min3A_127 = arith.constant dense<2147483647> : vector<256xi32>
    %reduce_min3A_128 = vector.multi_reduction <minsi>, %select_n3A_126, %reduce_min3A_127 [1] : vector<256x4096xi32> to vector<256xi32>
    %broadcast_in_dim3A_129 = vector.shape_cast %reduce_min3A_128 : vector<256xi32> to vector<256x1xi32>
    %swap3A_130 = arith.constant 0 : index
    %swap3A_131 = arith.constant 5 : index
    %swap3A_132 = vector.load %arg5[%swap3A_130, %swap3A_131] : memref<256x16xi32, #tpu.memory_space<vmem>>, vector<256x1xi32>
    tpu.vector_store %arg5[%swap3A_130, %swap3A_131], %broadcast_in_dim3A_129 {strides = array<i32>} : memref<256x16xi32, #tpu.memory_space<vmem>>, vector<256x1xi32>,
    %eq3A_133 = vector.broadcast %broadcast_in_dim3A_129 : vector<256x1xi32> to vector<256x4096xi32>
    %eq3A_134 = arith.cmpi eq, %iota3A, %eq3A_133 : vector<256x4096xi32>
    %jit3A_135 = arith.constant 0x7F800000 : f32
    %broadcast_in_dim3A_136 = vector.broadcast %jit3A_135 : f32 to vector<256x4096xf32>
    %select_n3A_137 = arith.select %eq3A_134, %broadcast_in_dim3A_136, %select_n3A_118 : vector<256x4096xi1>, vector<256x4096xf32>
    %reduce_min3A_138 = arith.constant dense<0x7F800000> : vector<256xf32>
    %reduce_min3A_139 = vector.multi_reduction <minimumf>, %select_n3A_137, %reduce_min3A_138 [1] : vector<256x4096xf32> to vector<256xf32>
    %broadcast_in_dim3A_140 = vector.shape_cast %reduce_min3A_139 : vector<256xf32> to vector<256x1xf32>
    %eq3A_141 = vector.broadcast %broadcast_in_dim3A_140 : vector<256x1xf32> to vector<256x4096xf32>
    %eq3A_142 = arith.cmpf oeq, %select_n3A_137, %eq3A_141 : vector<256x4096xf32>
    %jit3A_143 = arith.constant 4096 : i32
    %broadcast_in_dim3A_144 = vector.broadcast %jit3A_143 : i32 to vector<256x4096xi32>
    %select_n3A_145 = arith.select %eq3A_142, %iota3A, %broadcast_in_dim3A_144 : vector<256x4096xi1>, vector<256x4096xi32>
    %reduce_min3A_146 = arith.constant dense<2147483647> : vector<256xi32>
    %reduce_min3A_147 = vector.multi_reduction <minsi>, %select_n3A_145, %reduce_min3A_146 [1] : vector<256x4096xi32> to vector<256xi32>
    %broadcast_in_dim3A_148 = vector.shape_cast %reduce_min3A_147 : vector<256xi32> to vector<256x1xi32>
    %swap3A_149 = arith.constant 0 : index
    %swap3A_150 = arith.constant 6 : index
    %swap3A_151 = vector.load %arg5[%swap3A_149, %swap3A_150] : memref<256x16xi32, #tpu.memory_space<vmem>>, vector<256x1xi32>
    tpu.vector_store %arg5[%swap3A_149, %swap3A_150], %broadcast_in_dim3A_148 {strides = array<i32>} : memref<256x16xi32, #tpu.memory_space<vmem>>, vector<256x1xi32>,
    %eq3A_152 = vector.broadcast %broadcast_in_dim3A_148 : vector<256x1xi32> to vector<256x4096xi32>
    %eq3A_153 = arith.cmpi eq, %iota3A, %eq3A_152 : vector<256x4096xi32>
    %jit3A_154 = arith.constant 0x7F800000 : f32
    %broadcast_in_dim3A_155 = vector.broadcast %jit3A_154 : f32 to vector<256x4096xf32>
    %select_n3A_156 = arith.select %eq3A_153, %broadcast_in_dim3A_155, %select_n3A_137 : vector<256x4096xi1>, vector<256x4096xf32>
    %reduce_min3A_157 = arith.constant dense<0x7F800000> : vector<256xf32>
    %reduce_min3A_158 = vector.multi_reduction <minimumf>, %select_n3A_156, %reduce_min3A_157 [1] : vector<256x4096xf32> to vector<256xf32>
    %broadcast_in_dim3A_159 = vector.shape_cast %reduce_min3A_158 : vector<256xf32> to vector<256x1xf32>
    %eq3A_160 = vector.broadcast %broadcast_in_dim3A_159 : vector<256x1xf32> to vector<256x4096xf32>
    %eq3A_161 = arith.cmpf oeq, %select_n3A_156, %eq3A_160 : vector<256x4096xf32>
    %jit3A_162 = arith.constant 4096 : i32
    %broadcast_in_dim3A_163 = vector.broadcast %jit3A_162 : i32 to vector<256x4096xi32>
    %select_n3A_164 = arith.select %eq3A_161, %iota3A, %broadcast_in_dim3A_163 : vector<256x4096xi1>, vector<256x4096xi32>
    %reduce_min3A_165 = arith.constant dense<2147483647> : vector<256xi32>
    %reduce_min3A_166 = vector.multi_reduction <minsi>, %select_n3A_164, %reduce_min3A_165 [1] : vector<256x4096xi32> to vector<256xi32>
    %broadcast_in_dim3A_167 = vector.shape_cast %reduce_min3A_166 : vector<256xi32> to vector<256x1xi32>
    %swap3A_168 = arith.constant 0 : index
    %swap3A_169 = arith.constant 7 : index
    %swap3A_170 = vector.load %arg5[%swap3A_168, %swap3A_169] : memref<256x16xi32, #tpu.memory_space<vmem>>, vector<256x1xi32>
    tpu.vector_store %arg5[%swap3A_168, %swap3A_169], %broadcast_in_dim3A_167 {strides = array<i32>} : memref<256x16xi32, #tpu.memory_space<vmem>>, vector<256x1xi32>,
    %eq3A_171 = vector.broadcast %broadcast_in_dim3A_167 : vector<256x1xi32> to vector<256x4096xi32>
    %eq3A_172 = arith.cmpi eq, %iota3A, %eq3A_171 : vector<256x4096xi32>
    %jit3A_173 = arith.constant 0x7F800000 : f32
    %broadcast_in_dim3A_174 = vector.broadcast %jit3A_173 : f32 to vector<256x4096xf32>
    %select_n3A_175 = arith.select %eq3A_172, %broadcast_in_dim3A_174, %select_n3A_156 : vector<256x4096xi1>, vector<256x4096xf32>
    %reduce_min3A_176 = arith.constant dense<0x7F800000> : vector<256xf32>
    %reduce_min3A_177 = vector.multi_reduction <minimumf>, %select_n3A_175, %reduce_min3A_176 [1] : vector<256x4096xf32> to vector<256xf32>
    %broadcast_in_dim3A_178 = vector.shape_cast %reduce_min3A_177 : vector<256xf32> to vector<256x1xf32>
    %eq3A_179 = vector.broadcast %broadcast_in_dim3A_178 : vector<256x1xf32> to vector<256x4096xf32>
    %eq3A_180 = arith.cmpf oeq, %select_n3A_175, %eq3A_179 : vector<256x4096xf32>
    %jit3A_181 = arith.constant 4096 : i32
    %broadcast_in_dim3A_182 = vector.broadcast %jit3A_181 : i32 to vector<256x4096xi32>
    %select_n3A_183 = arith.select %eq3A_180, %iota3A, %broadcast_in_dim3A_182 : vector<256x4096xi1>, vector<256x4096xi32>
    %reduce_min3A_184 = arith.constant dense<2147483647> : vector<256xi32>
    %reduce_min3A_185 = vector.multi_reduction <minsi>, %select_n3A_183, %reduce_min3A_184 [1] : vector<256x4096xi32> to vector<256xi32>
    %broadcast_in_dim3A_186 = vector.shape_cast %reduce_min3A_185 : vector<256xi32> to vector<256x1xi32>
    %swap3A_187 = arith.constant 0 : index
    %swap3A_188 = arith.constant 8 : index
    %swap3A_189 = vector.load %arg5[%swap3A_187, %swap3A_188] : memref<256x16xi32, #tpu.memory_space<vmem>>, vector<256x1xi32>
    tpu.vector_store %arg5[%swap3A_187, %swap3A_188], %broadcast_in_dim3A_186 {strides = array<i32>} : memref<256x16xi32, #tpu.memory_space<vmem>>, vector<256x1xi32>,
    %eq3A_190 = vector.broadcast %broadcast_in_dim3A_186 : vector<256x1xi32> to vector<256x4096xi32>
    %eq3A_191 = arith.cmpi eq, %iota3A, %eq3A_190 : vector<256x4096xi32>
    %jit3A_192 = arith.constant 0x7F800000 : f32
    %broadcast_in_dim3A_193 = vector.broadcast %jit3A_192 : f32 to vector<256x4096xf32>
    %select_n3A_194 = arith.select %eq3A_191, %broadcast_in_dim3A_193, %select_n3A_175 : vector<256x4096xi1>, vector<256x4096xf32>
    %reduce_min3A_195 = arith.constant dense<0x7F800000> : vector<256xf32>
    %reduce_min3A_196 = vector.multi_reduction <minimumf>, %select_n3A_194, %reduce_min3A_195 [1] : vector<256x4096xf32> to vector<256xf32>
    %broadcast_in_dim3A_197 = vector.shape_cast %reduce_min3A_196 : vector<256xf32> to vector<256x1xf32>
    %eq3A_198 = vector.broadcast %broadcast_in_dim3A_197 : vector<256x1xf32> to vector<256x4096xf32>
    %eq3A_199 = arith.cmpf oeq, %select_n3A_194, %eq3A_198 : vector<256x4096xf32>
    %jit3A_200 = arith.constant 4096 : i32
    %broadcast_in_dim3A_201 = vector.broadcast %jit3A_200 : i32 to vector<256x4096xi32>
    %select_n3A_202 = arith.select %eq3A_199, %iota3A, %broadcast_in_dim3A_201 : vector<256x4096xi1>, vector<256x4096xi32>
    %reduce_min3A_203 = arith.constant dense<2147483647> : vector<256xi32>
    %reduce_min3A_204 = vector.multi_reduction <minsi>, %select_n3A_202, %reduce_min3A_203 [1] : vector<256x4096xi32> to vector<256xi32>
    %broadcast_in_dim3A_205 = vector.shape_cast %reduce_min3A_204 : vector<256xi32> to vector<256x1xi32>
    %swap3A_206 = arith.constant 0 : index
    %swap3A_207 = arith.constant 9 : index
    %swap3A_208 = vector.load %arg5[%swap3A_206, %swap3A_207] : memref<256x16xi32, #tpu.memory_space<vmem>>, vector<256x1xi32>
    tpu.vector_store %arg5[%swap3A_206, %swap3A_207], %broadcast_in_dim3A_205 {strides = array<i32>} : memref<256x16xi32, #tpu.memory_space<vmem>>, vector<256x1xi32>,
    %eq3A_209 = vector.broadcast %broadcast_in_dim3A_205 : vector<256x1xi32> to vector<256x4096xi32>
    %eq3A_210 = arith.cmpi eq, %iota3A, %eq3A_209 : vector<256x4096xi32>
    %jit3A_211 = arith.constant 0x7F800000 : f32
    %broadcast_in_dim3A_212 = vector.broadcast %jit3A_211 : f32 to vector<256x4096xf32>
    %select_n3A_213 = arith.select %eq3A_210, %broadcast_in_dim3A_212, %select_n3A_194 : vector<256x4096xi1>, vector<256x4096xf32>
    %reduce_min3A_214 = arith.constant dense<0x7F800000> : vector<256xf32>
    %reduce_min3A_215 = vector.multi_reduction <minimumf>, %select_n3A_213, %reduce_min3A_214 [1] : vector<256x4096xf32> to vector<256xf32>
    %broadcast_in_dim3A_216 = vector.shape_cast %reduce_min3A_215 : vector<256xf32> to vector<256x1xf32>
    %eq3A_217 = vector.broadcast %broadcast_in_dim3A_216 : vector<256x1xf32> to vector<256x4096xf32>
    %eq3A_218 = arith.cmpf oeq, %select_n3A_213, %eq3A_217 : vector<256x4096xf32>
    %jit3A_219 = arith.constant 4096 : i32
    %broadcast_in_dim3A_220 = vector.broadcast %jit3A_219 : i32 to vector<256x4096xi32>
    %select_n3A_221 = arith.select %eq3A_218, %iota3A, %broadcast_in_dim3A_220 : vector<256x4096xi1>, vector<256x4096xi32>
    %reduce_min3A_222 = arith.constant dense<2147483647> : vector<256xi32>
    %reduce_min3A_223 = vector.multi_reduction <minsi>, %select_n3A_221, %reduce_min3A_222 [1] : vector<256x4096xi32> to vector<256xi32>
    %broadcast_in_dim3A_224 = vector.shape_cast %reduce_min3A_223 : vector<256xi32> to vector<256x1xi32>
    %swap3A_225 = arith.constant 0 : index
    %swap3A_226 = arith.constant 10 : index
    %swap3A_227 = vector.load %arg5[%swap3A_225, %swap3A_226] : memref<256x16xi32, #tpu.memory_space<vmem>>, vector<256x1xi32>
    tpu.vector_store %arg5[%swap3A_225, %swap3A_226], %broadcast_in_dim3A_224 {strides = array<i32>} : memref<256x16xi32, #tpu.memory_space<vmem>>, vector<256x1xi32>,
    %eq3A_228 = vector.broadcast %broadcast_in_dim3A_224 : vector<256x1xi32> to vector<256x4096xi32>
    %eq3A_229 = arith.cmpi eq, %iota3A, %eq3A_228 : vector<256x4096xi32>
    %jit3A_230 = arith.constant 0x7F800000 : f32
    %broadcast_in_dim3A_231 = vector.broadcast %jit3A_230 : f32 to vector<256x4096xf32>
    %select_n3A_232 = arith.select %eq3A_229, %broadcast_in_dim3A_231, %select_n3A_213 : vector<256x4096xi1>, vector<256x4096xf32>
    %reduce_min3A_233 = arith.constant dense<0x7F800000> : vector<256xf32>
    %reduce_min3A_234 = vector.multi_reduction <minimumf>, %select_n3A_232, %reduce_min3A_233 [1] : vector<256x4096xf32> to vector<256xf32>
    %broadcast_in_dim3A_235 = vector.shape_cast %reduce_min3A_234 : vector<256xf32> to vector<256x1xf32>
    %eq3A_236 = vector.broadcast %broadcast_in_dim3A_235 : vector<256x1xf32> to vector<256x4096xf32>
    %eq3A_237 = arith.cmpf oeq, %select_n3A_232, %eq3A_236 : vector<256x4096xf32>
    %jit3A_238 = arith.constant 4096 : i32
    %broadcast_in_dim3A_239 = vector.broadcast %jit3A_238 : i32 to vector<256x4096xi32>
    %select_n3A_240 = arith.select %eq3A_237, %iota3A, %broadcast_in_dim3A_239 : vector<256x4096xi1>, vector<256x4096xi32>
    %reduce_min3A_241 = arith.constant dense<2147483647> : vector<256xi32>
    %reduce_min3A_242 = vector.multi_reduction <minsi>, %select_n3A_240, %reduce_min3A_241 [1] : vector<256x4096xi32> to vector<256xi32>
    %broadcast_in_dim3A_243 = vector.shape_cast %reduce_min3A_242 : vector<256xi32> to vector<256x1xi32>
    %swap3A_244 = arith.constant 0 : index
    %swap3A_245 = arith.constant 11 : index
    %swap3A_246 = vector.load %arg5[%swap3A_244, %swap3A_245] : memref<256x16xi32, #tpu.memory_space<vmem>>, vector<256x1xi32>
    tpu.vector_store %arg5[%swap3A_244, %swap3A_245], %broadcast_in_dim3A_243 {strides = array<i32>} : memref<256x16xi32, #tpu.memory_space<vmem>>, vector<256x1xi32>,
    %eq3A_247 = vector.broadcast %broadcast_in_dim3A_243 : vector<256x1xi32> to vector<256x4096xi32>
    %eq3A_248 = arith.cmpi eq, %iota3A, %eq3A_247 : vector<256x4096xi32>
    %jit3A_249 = arith.constant 0x7F800000 : f32
    %broadcast_in_dim3A_250 = vector.broadcast %jit3A_249 : f32 to vector<256x4096xf32>
    %select_n3A_251 = arith.select %eq3A_248, %broadcast_in_dim3A_250, %select_n3A_232 : vector<256x4096xi1>, vector<256x4096xf32>
    %reduce_min3A_252 = arith.constant dense<0x7F800000> : vector<256xf32>
    %reduce_min3A_253 = vector.multi_reduction <minimumf>, %select_n3A_251, %reduce_min3A_252 [1] : vector<256x4096xf32> to vector<256xf32>
    %broadcast_in_dim3A_254 = vector.shape_cast %reduce_min3A_253 : vector<256xf32> to vector<256x1xf32>
    %eq3A_255 = vector.broadcast %broadcast_in_dim3A_254 : vector<256x1xf32> to vector<256x4096xf32>
    %eq3A_256 = arith.cmpf oeq, %select_n3A_251, %eq3A_255 : vector<256x4096xf32>
    %jit3A_257 = arith.constant 4096 : i32
    %broadcast_in_dim3A_258 = vector.broadcast %jit3A_257 : i32 to vector<256x4096xi32>
    %select_n3A_259 = arith.select %eq3A_256, %iota3A, %broadcast_in_dim3A_258 : vector<256x4096xi1>, vector<256x4096xi32>
    %reduce_min3A_260 = arith.constant dense<2147483647> : vector<256xi32>
    %reduce_min3A_261 = vector.multi_reduction <minsi>, %select_n3A_259, %reduce_min3A_260 [1] : vector<256x4096xi32> to vector<256xi32>
    %broadcast_in_dim3A_262 = vector.shape_cast %reduce_min3A_261 : vector<256xi32> to vector<256x1xi32>
    %swap3A_263 = arith.constant 0 : index
    %swap3A_264 = arith.constant 12 : index
    %swap3A_265 = vector.load %arg5[%swap3A_263, %swap3A_264] : memref<256x16xi32, #tpu.memory_space<vmem>>, vector<256x1xi32>
    tpu.vector_store %arg5[%swap3A_263, %swap3A_264], %broadcast_in_dim3A_262 {strides = array<i32>} : memref<256x16xi32, #tpu.memory_space<vmem>>, vector<256x1xi32>,
    %eq3A_266 = vector.broadcast %broadcast_in_dim3A_262 : vector<256x1xi32> to vector<256x4096xi32>
    %eq3A_267 = arith.cmpi eq, %iota3A, %eq3A_266 : vector<256x4096xi32>
    %jit3A_268 = arith.constant 0x7F800000 : f32
    %broadcast_in_dim3A_269 = vector.broadcast %jit3A_268 : f32 to vector<256x4096xf32>
    %select_n3A_270 = arith.select %eq3A_267, %broadcast_in_dim3A_269, %select_n3A_251 : vector<256x4096xi1>, vector<256x4096xf32>
    %reduce_min3A_271 = arith.constant dense<0x7F800000> : vector<256xf32>
    %reduce_min3A_272 = vector.multi_reduction <minimumf>, %select_n3A_270, %reduce_min3A_271 [1] : vector<256x4096xf32> to vector<256xf32>
    %broadcast_in_dim3A_273 = vector.shape_cast %reduce_min3A_272 : vector<256xf32> to vector<256x1xf32>
    %eq3A_274 = vector.broadcast %broadcast_in_dim3A_273 : vector<256x1xf32> to vector<256x4096xf32>
    %eq3A_275 = arith.cmpf oeq, %select_n3A_270, %eq3A_274 : vector<256x4096xf32>
    %jit3A_276 = arith.constant 4096 : i32
    %broadcast_in_dim3A_277 = vector.broadcast %jit3A_276 : i32 to vector<256x4096xi32>
    %select_n3A_278 = arith.select %eq3A_275, %iota3A, %broadcast_in_dim3A_277 : vector<256x4096xi1>, vector<256x4096xi32>
    %reduce_min3A_279 = arith.constant dense<2147483647> : vector<256xi32>
    %reduce_min3A_280 = vector.multi_reduction <minsi>, %select_n3A_278, %reduce_min3A_279 [1] : vector<256x4096xi32> to vector<256xi32>
    %broadcast_in_dim3A_281 = vector.shape_cast %reduce_min3A_280 : vector<256xi32> to vector<256x1xi32>
    %swap3A_282 = arith.constant 0 : index
    %swap3A_283 = arith.constant 13 : index
    %swap3A_284 = vector.load %arg5[%swap3A_282, %swap3A_283] : memref<256x16xi32, #tpu.memory_space<vmem>>, vector<256x1xi32>
    tpu.vector_store %arg5[%swap3A_282, %swap3A_283], %broadcast_in_dim3A_281 {strides = array<i32>} : memref<256x16xi32, #tpu.memory_space<vmem>>, vector<256x1xi32>,
    %eq3A_285 = vector.broadcast %broadcast_in_dim3A_281 : vector<256x1xi32> to vector<256x4096xi32>
    %eq3A_286 = arith.cmpi eq, %iota3A, %eq3A_285 : vector<256x4096xi32>
    %jit3A_287 = arith.constant 0x7F800000 : f32
    %broadcast_in_dim3A_288 = vector.broadcast %jit3A_287 : f32 to vector<256x4096xf32>
    %select_n3A_289 = arith.select %eq3A_286, %broadcast_in_dim3A_288, %select_n3A_270 : vector<256x4096xi1>, vector<256x4096xf32>
    %reduce_min3A_290 = arith.constant dense<0x7F800000> : vector<256xf32>
    %reduce_min3A_291 = vector.multi_reduction <minimumf>, %select_n3A_289, %reduce_min3A_290 [1] : vector<256x4096xf32> to vector<256xf32>
    %broadcast_in_dim3A_292 = vector.shape_cast %reduce_min3A_291 : vector<256xf32> to vector<256x1xf32>
    %eq3A_293 = vector.broadcast %broadcast_in_dim3A_292 : vector<256x1xf32> to vector<256x4096xf32>
    %eq3A_294 = arith.cmpf oeq, %select_n3A_289, %eq3A_293 : vector<256x4096xf32>
    %jit3A_295 = arith.constant 4096 : i32
    %broadcast_in_dim3A_296 = vector.broadcast %jit3A_295 : i32 to vector<256x4096xi32>
    %select_n3A_297 = arith.select %eq3A_294, %iota3A, %broadcast_in_dim3A_296 : vector<256x4096xi1>, vector<256x4096xi32>
    %reduce_min3A_298 = arith.constant dense<2147483647> : vector<256xi32>
    %reduce_min3A_299 = vector.multi_reduction <minsi>, %select_n3A_297, %reduce_min3A_298 [1] : vector<256x4096xi32> to vector<256xi32>
    %broadcast_in_dim3A_300 = vector.shape_cast %reduce_min3A_299 : vector<256xi32> to vector<256x1xi32>
    %swap3A_301 = arith.constant 0 : index
    %swap3A_302 = arith.constant 14 : index
    %swap3A_303 = vector.load %arg5[%swap3A_301, %swap3A_302] : memref<256x16xi32, #tpu.memory_space<vmem>>, vector<256x1xi32>
    tpu.vector_store %arg5[%swap3A_301, %swap3A_302], %broadcast_in_dim3A_300 {strides = array<i32>} : memref<256x16xi32, #tpu.memory_space<vmem>>, vector<256x1xi32>,
    %eq3A_304 = vector.broadcast %broadcast_in_dim3A_300 : vector<256x1xi32> to vector<256x4096xi32>
    %eq3A_305 = arith.cmpi eq, %iota3A, %eq3A_304 : vector<256x4096xi32>
    %jit3A_306 = arith.constant 0x7F800000 : f32
    %broadcast_in_dim3A_307 = vector.broadcast %jit3A_306 : f32 to vector<256x4096xf32>
    %select_n3A_308 = arith.select %eq3A_305, %broadcast_in_dim3A_307, %select_n3A_289 : vector<256x4096xi1>, vector<256x4096xf32>
    %reduce_min3A_309 = arith.constant dense<0x7F800000> : vector<256xf32>
    %reduce_min3A_310 = vector.multi_reduction <minimumf>, %select_n3A_308, %reduce_min3A_309 [1] : vector<256x4096xf32> to vector<256xf32>
    %broadcast_in_dim3A_311 = vector.shape_cast %reduce_min3A_310 : vector<256xf32> to vector<256x1xf32>
    %eq3A_312 = vector.broadcast %broadcast_in_dim3A_311 : vector<256x1xf32> to vector<256x4096xf32>
    %eq3A_313 = arith.cmpf oeq, %select_n3A_308, %eq3A_312 : vector<256x4096xf32>
    %jit3A_314 = arith.constant 4096 : i32
    %broadcast_in_dim3A_315 = vector.broadcast %jit3A_314 : i32 to vector<256x4096xi32>
    %select_n3A_316 = arith.select %eq3A_313, %iota3A, %broadcast_in_dim3A_315 : vector<256x4096xi1>, vector<256x4096xi32>
    %reduce_min3A_317 = arith.constant dense<2147483647> : vector<256xi32>
    %reduce_min3A_318 = vector.multi_reduction <minsi>, %select_n3A_316, %reduce_min3A_317 [1] : vector<256x4096xi32> to vector<256xi32>
    %broadcast_in_dim3A_319 = vector.shape_cast %reduce_min3A_318 : vector<256xi32> to vector<256x1xi32>
    %swap3A_320 = arith.constant 0 : index
    %swap3A_321 = arith.constant 15 : index
    %swap3A_322 = vector.load %arg5[%swap3A_320, %swap3A_321] : memref<256x16xi32, #tpu.memory_space<vmem>>, vector<256x1xi32>
    tpu.vector_store %arg5[%swap3A_320, %swap3A_321], %broadcast_in_dim3A_319 {strides = array<i32>} : memref<256x16xi32, #tpu.memory_space<vmem>>, vector<256x1xi32>,
    return
  }
  func.func @transform_0(%arg0: i32) -> (i32, i32) {
    %c0_i32 = arith.constant 0 : i32
    %c0_i32_0 = arith.constant 0 : i32
    return %arg0, %c0_i32 : i32, i32
  }
  func.func @transform_1(%arg0: i32) -> (i32, i32) {
    %c0_i32 = arith.constant 0 : i32
    %c0_i32_0 = arith.constant 0 : i32
    %c0_i32_1 = arith.constant 0 : i32
    return %c0_i32, %c0_i32_0 : i32, i32
  }
  func.func @transform_2(%arg0: i32) -> (i32, i32) {
    %c0_i32 = arith.constant 0 : i32
    %c0_i32_0 = arith.constant 0 : i32
    return %arg0, %c0_i32 : i32, i32
  }
  func.func @transform_3(%arg0: i32) -> (i32, i32) {
    %c0_i32 = arith.constant 0 : i32
    %c0_i32_0 = arith.constant 0 : i32
    %c0_i32_1 = arith.constant 0 : i32
    return %c0_i32, %c0_i32_0 : i32, i32
  }
  func.func @transform_4(%arg0: i32) -> (i32, i32) {
    %c0_i32 = arith.constant 0 : i32
    %c0_i32_0 = arith.constant 0 : i32
    return %arg0, %c0_i32 : i32, i32
  }
}

module attributes {stable_mosaic.version = 14 : i64} {
  func.func @_topk_win_body(%arg0: i32, %arg1: memref<16xi32, #tpu.memory_space<smem>>, %arg2: memref<256x128xf32, #tpu.memory_space<vmem>>, %arg3: memref<256x128xf32, #tpu.memory_space<vmem>>, %arg4: memref<256x128xf32, #tpu.memory_space<vmem>>, %arg5: memref<256x128xf32, #tpu.memory_space<vmem>>, %arg6: memref<256x128xf32, #tpu.memory_space<vmem>>, %arg7: memref<256x128xf32, #tpu.memory_space<vmem>>, %arg8: memref<256x1xf32, #tpu.memory_space<vmem>>, %arg9: memref<1x256xf32, #tpu.memory_space<vmem>>, %arg10: memref<1x256xf32, #tpu.memory_space<vmem>>, %arg11: memref<1x256xf32, #tpu.memory_space<vmem>>, %arg12: memref<1x256xf32, #tpu.memory_space<vmem>>, %arg13: memref<1x256xf32, #tpu.memory_space<vmem>>, %arg14: memref<256x16xi32, #tpu.memory_space<vmem>>) attributes {dimension_semantics = [#tpu.dimension_semantics<arbitrary>], iteration_bounds = array<i64: 16>, scalar_prefetch = 1 : i64, scratch_operands = 0 : i64, tpu.core_type = #tpu.core_type<tc>, window_params = [{transform_indices = @transform_0, window_bounds = array<i64: 256, 128>}, {transform_indices = @transform_1, window_bounds = array<i64: 256, 128>}, {transform_indices = @transform_2, window_bounds = array<i64: 256, 128>}, {transform_indices = @transform_3, window_bounds = array<i64: 256, 128>}, {transform_indices = @transform_4, window_bounds = array<i64: 256, 128>}, {transform_indices = @transform_5, window_bounds = array<i64: 256, 128>}, {transform_indices = @transform_6, window_bounds = array<i64: 256, 1>}, {transform_indices = @transform_7, window_bounds = array<i64: 1, 256>}, {transform_indices = @transform_8, window_bounds = array<i64: 1, 256>}, {transform_indices = @transform_9, window_bounds = array<i64: 1, 256>}, {transform_indices = @transform_10, window_bounds = array<i64: 1, 256>}, {transform_indices = @transform_11, window_bounds = array<i64: 1, 256>}, {transform_indices = @transform_12, window_bounds = array<i64: 256, 16>}]} {
    %get3A = arith.index_cast %arg0 : i32 to index
    %get3A_0 = memref.load %arg1[%get3A] : memref<16xi32, #tpu.memory_space<smem>>
    %mul3A = arith.constant 256 : i32
    %mul3A_1 = arith.muli %get3A_0, %mul3A : i32
    %get3A_2 = arith.constant 0 : index
    %get3A_3 = arith.constant 0 : index
    %get3A_4 = vector.load %arg3[%get3A_2, %get3A_3] : memref<256x128xf32, #tpu.memory_space<vmem>>, vector<256x128xf32>
    %get3A_5 = arith.constant 0 : index
    %get3A_6 = arith.constant 0 : index
    %get3A_7 = vector.load %arg4[%get3A_5, %get3A_6] : memref<256x128xf32, #tpu.memory_space<vmem>>, vector<256x128xf32>
    %get3A_8 = arith.constant 0 : index
    %get3A_9 = arith.constant 0 : index
    %get3A_10 = vector.load %arg5[%get3A_8, %get3A_9] : memref<256x128xf32, #tpu.memory_space<vmem>>, vector<256x128xf32>
    %get3A_11 = arith.constant 0 : index
    %get3A_12 = arith.constant 0 : index
    %get3A_13 = vector.load %arg6[%get3A_11, %get3A_12] : memref<256x128xf32, #tpu.memory_space<vmem>>, vector<256x128xf32>
    %get3A_14 = arith.constant 0 : index
    %get3A_15 = arith.constant 0 : index
    %get3A_16 = vector.load %arg7[%get3A_14, %get3A_15] : memref<256x128xf32, #tpu.memory_space<vmem>>, vector<256x128xf32>
    %concatenate3A = tpu.concatenate %get3A_4, %get3A_7, %get3A_10, %get3A_13, %get3A_16 in 0 : vector<256x128xf32>, vector<256x128xf32>, vector<256x128xf32>, vector<256x128xf32>, vector<256x128xf32> -> vector<1280x128xf32>
    %get3A_17 = arith.constant 0 : index
    %get3A_18 = arith.constant 0 : index
    %get3A_19 = vector.load %arg9[%get3A_17, %get3A_18] : memref<1x256xf32, #tpu.memory_space<vmem>>, vector<1x256xf32>
    %get3A_20 = arith.constant 0 : index
    %get3A_21 = arith.constant 0 : index
    %get3A_22 = vector.load %arg10[%get3A_20, %get3A_21] : memref<1x256xf32, #tpu.memory_space<vmem>>, vector<1x256xf32>
    %get3A_23 = arith.constant 0 : index
    %get3A_24 = arith.constant 0 : index
    %get3A_25 = vector.load %arg11[%get3A_23, %get3A_24] : memref<1x256xf32, #tpu.memory_space<vmem>>, vector<1x256xf32>
    %get3A_26 = arith.constant 0 : index
    %get3A_27 = arith.constant 0 : index
    %get3A_28 = vector.load %arg12[%get3A_26, %get3A_27] : memref<1x256xf32, #tpu.memory_space<vmem>>, vector<1x256xf32>
    %get3A_29 = arith.constant 0 : index
    %get3A_30 = arith.constant 0 : index
    %get3A_31 = vector.load %arg13[%get3A_29, %get3A_30] : memref<1x256xf32, #tpu.memory_space<vmem>>, vector<1x256xf32>
    %concatenate3A_32 = tpu.concatenate %get3A_19, %get3A_22, %get3A_25, %get3A_28, %get3A_31 in 1 : vector<1x256xf32>, vector<1x256xf32>, vector<1x256xf32>, vector<1x256xf32>, vector<1x256xf32> -> vector<1x1280xf32>
    %get3A_33 = arith.constant 0 : index
    %get3A_34 = arith.constant 0 : index
    %get3A_35 = vector.load %arg2[%get3A_33, %get3A_34] : memref<256x128xf32, #tpu.memory_space<vmem>>, vector<256x128xf32>
    %mul3A_36 = arith.mulf %get3A_35, %get3A_35 : vector<256x128xf32>
    %reduce_sum3A = arith.constant dense<0.000000e+00> : vector<256xf32>
    %reduce_sum3A_37 = vector.multi_reduction <add>, %mul3A_36, %reduce_sum3A [1] : vector<256x128xf32> to vector<256xf32>
    %broadcast_in_dim3A = vector.shape_cast %reduce_sum3A_37 : vector<256xf32> to vector<256x1xf32>
    %mul3A_38 = arith.mulf %concatenate3A, %concatenate3A : vector<1280x128xf32>
    %broadcast_in_dim3A_39 = arith.constant 1.000000e+00 : f32
    %broadcast_in_dim3A_40 = vector.broadcast %broadcast_in_dim3A_39 : f32 to vector<1x128xf32>
    %transpose3A = tpu.transpose %mul3A_38, [1, 0] : vector<1280x128xf32> -> vector<128x1280xf32>
    %dot_general3A = arith.constant dense<0.000000e+00> : vector<1x1280xf32>
    %dot_general3A_41 = tpu.matmul %broadcast_in_dim3A_40, %transpose3A, %dot_general3A {dimension_numbers = #tpu.dot_dimension_numbers<[1], [0], [0], [1], [0, 0, 1, 1], [], []>, transpose_lhs_hint = false} : vector<1x128xf32>, vector<128x1280xf32>, vector<1x1280xf32> -> vector<1x1280xf32>
    %add3A = vector.broadcast %broadcast_in_dim3A : vector<256x1xf32> to vector<256x1280xf32>
    %add3A_42 = vector.broadcast %dot_general3A_41 : vector<1x1280xf32> to vector<256x1280xf32>
    %add3A_43 = arith.addf %add3A, %add3A_42 : vector<256x1280xf32>
    %transpose3A_44 = tpu.transpose %concatenate3A, [1, 0] : vector<1280x128xf32> -> vector<128x1280xf32>
    %dot_general3A_45 = arith.constant dense<0.000000e+00> : vector<256x1280xf32>
    %dot_general3A_46 = tpu.matmul %get3A_35, %transpose3A_44, %dot_general3A_45 {dimension_numbers = #tpu.dot_dimension_numbers<[1], [0], [0], [1], [0, 0, 1, 1], [], []>, transpose_lhs_hint = false} : vector<256x128xf32>, vector<128x1280xf32>, vector<256x1280xf32> -> vector<256x1280xf32>
    %mul3A_47 = arith.constant 2.000000e+00 : f32
    %mul3A_48 = vector.broadcast %mul3A_47 : f32 to vector<256x1280xf32>
    %mul3A_49 = arith.mulf %mul3A_48, %dot_general3A_46 : vector<256x1280xf32>
    %sub3A = arith.subf %add3A_43, %mul3A_49 : vector<256x1280xf32>
    %get3A_50 = arith.constant 0 : index
    %get3A_51 = arith.constant 0 : index
    %get3A_52 = vector.load %arg8[%get3A_50, %get3A_51] : memref<256x1xf32, #tpu.memory_space<vmem>>, vector<256x1xf32>
    %ne3A = vector.broadcast %get3A_52 : vector<256x1xf32> to vector<256x1280xf32>
    %ne3A_53 = vector.broadcast %concatenate3A_32 : vector<1x1280xf32> to vector<256x1280xf32>
    %ne3A_54 = arith.cmpf one, %ne3A, %ne3A_53 : vector<256x1280xf32>
    %jit3A = arith.constant 1.000000e+10 : f32
    %broadcast_in_dim3A_55 = vector.broadcast %jit3A : f32 to vector<256x1280xf32>
    %select_n3A = arith.select %ne3A_54, %broadcast_in_dim3A_55, %sub3A : vector<256x1280xi1>, vector<256x1280xf32>
    %max3A = arith.constant 0.000000e+00 : f32
    %max3A_56 = vector.broadcast %max3A : f32 to vector<256x1280xf32>
    %max3A_57 = arith.maximumf %select_n3A, %max3A_56 : vector<256x1280xf32>
    %iota3A = tpu.iota {dimensions = array<i32: 1>} : vector<256x1280xi32>
    %bitcast_convert_type3A = tpu.bitcast %max3A_57 : vector<256x1280xf32> -> vector<256x1280xi32>
    %and3A = arith.constant -2048 : i32
    %and3A_58 = vector.broadcast %and3A : i32 to vector<256x1280xi32>
    %and3A_59 = arith.andi %bitcast_convert_type3A, %and3A_58 : vector<256x1280xi32>
    %or3A = arith.ori %and3A_59, %iota3A : vector<256x1280xi32>
    %reduce_min3A = arith.constant dense<2147483647> : vector<256xi32>
    %reduce_min3A_60 = vector.multi_reduction <minsi>, %or3A, %reduce_min3A [1] : vector<256x1280xi32> to vector<256xi32>
    %broadcast_in_dim3A_61 = vector.shape_cast %reduce_min3A_60 : vector<256xi32> to vector<256x1xi32>
    %and3A_62 = arith.constant 2047 : i32
    %and3A_63 = vector.broadcast %and3A_62 : i32 to vector<256x1xi32>
    %and3A_64 = arith.andi %broadcast_in_dim3A_61, %and3A_63 : vector<256x1xi32>
    %add3A_65 = vector.broadcast %mul3A_1 : i32 to vector<256x1xi32>
    %add3A_66 = arith.addi %and3A_64, %add3A_65 : vector<256x1xi32>
    %swap3A = arith.constant 0 : index
    %swap3A_67 = arith.constant 0 : index
    %swap3A_68 = vector.load %arg14[%swap3A, %swap3A_67] : memref<256x16xi32, #tpu.memory_space<vmem>>, vector<256x1xi32>
    tpu.vector_store %arg14[%swap3A, %swap3A_67], %add3A_66 {strides = array<i32>} : memref<256x16xi32, #tpu.memory_space<vmem>>, vector<256x1xi32>,
    %gt3A = vector.broadcast %broadcast_in_dim3A_61 : vector<256x1xi32> to vector<256x1280xi32>
    %gt3A_69 = arith.cmpi sgt, %or3A, %gt3A : vector<256x1280xi32>
    %jit3A_70 = arith.constant 2147483647 : i32
    %broadcast_in_dim3A_71 = vector.broadcast %jit3A_70 : i32 to vector<256x1280xi32>
    %select_n3A_72 = arith.select %gt3A_69, %or3A, %broadcast_in_dim3A_71 : vector<256x1280xi1>, vector<256x1280xi32>
    %reduce_min3A_73 = arith.constant dense<2147483647> : vector<256xi32>
    %reduce_min3A_74 = vector.multi_reduction <minsi>, %select_n3A_72, %reduce_min3A_73 [1] : vector<256x1280xi32> to vector<256xi32>
    %broadcast_in_dim3A_75 = vector.shape_cast %reduce_min3A_74 : vector<256xi32> to vector<256x1xi32>
    %and3A_76 = arith.constant 2047 : i32
    %and3A_77 = vector.broadcast %and3A_76 : i32 to vector<256x1xi32>
    %and3A_78 = arith.andi %broadcast_in_dim3A_75, %and3A_77 : vector<256x1xi32>
    %add3A_79 = vector.broadcast %mul3A_1 : i32 to vector<256x1xi32>
    %add3A_80 = arith.addi %and3A_78, %add3A_79 : vector<256x1xi32>
    %swap3A_81 = arith.constant 0 : index
    %swap3A_82 = arith.constant 1 : index
    %swap3A_83 = vector.load %arg14[%swap3A_81, %swap3A_82] : memref<256x16xi32, #tpu.memory_space<vmem>>, vector<256x1xi32>
    tpu.vector_store %arg14[%swap3A_81, %swap3A_82], %add3A_80 {strides = array<i32>} : memref<256x16xi32, #tpu.memory_space<vmem>>, vector<256x1xi32>,
    %gt3A_84 = vector.broadcast %broadcast_in_dim3A_75 : vector<256x1xi32> to vector<256x1280xi32>
    %gt3A_85 = arith.cmpi sgt, %or3A, %gt3A_84 : vector<256x1280xi32>
    %jit3A_86 = arith.constant 2147483647 : i32
    %broadcast_in_dim3A_87 = vector.broadcast %jit3A_86 : i32 to vector<256x1280xi32>
    %select_n3A_88 = arith.select %gt3A_85, %or3A, %broadcast_in_dim3A_87 : vector<256x1280xi1>, vector<256x1280xi32>
    %reduce_min3A_89 = arith.constant dense<2147483647> : vector<256xi32>
    %reduce_min3A_90 = vector.multi_reduction <minsi>, %select_n3A_88, %reduce_min3A_89 [1] : vector<256x1280xi32> to vector<256xi32>
    %broadcast_in_dim3A_91 = vector.shape_cast %reduce_min3A_90 : vector<256xi32> to vector<256x1xi32>
    %and3A_92 = arith.constant 2047 : i32
    %and3A_93 = vector.broadcast %and3A_92 : i32 to vector<256x1xi32>
    %and3A_94 = arith.andi %broadcast_in_dim3A_91, %and3A_93 : vector<256x1xi32>
    %add3A_95 = vector.broadcast %mul3A_1 : i32 to vector<256x1xi32>
    %add3A_96 = arith.addi %and3A_94, %add3A_95 : vector<256x1xi32>
    %swap3A_97 = arith.constant 0 : index
    %swap3A_98 = arith.constant 2 : index
    %swap3A_99 = vector.load %arg14[%swap3A_97, %swap3A_98] : memref<256x16xi32, #tpu.memory_space<vmem>>, vector<256x1xi32>
    tpu.vector_store %arg14[%swap3A_97, %swap3A_98], %add3A_96 {strides = array<i32>} : memref<256x16xi32, #tpu.memory_space<vmem>>, vector<256x1xi32>,
    %gt3A_100 = vector.broadcast %broadcast_in_dim3A_91 : vector<256x1xi32> to vector<256x1280xi32>
    %gt3A_101 = arith.cmpi sgt, %or3A, %gt3A_100 : vector<256x1280xi32>
    %jit3A_102 = arith.constant 2147483647 : i32
    %broadcast_in_dim3A_103 = vector.broadcast %jit3A_102 : i32 to vector<256x1280xi32>
    %select_n3A_104 = arith.select %gt3A_101, %or3A, %broadcast_in_dim3A_103 : vector<256x1280xi1>, vector<256x1280xi32>
    %reduce_min3A_105 = arith.constant dense<2147483647> : vector<256xi32>
    %reduce_min3A_106 = vector.multi_reduction <minsi>, %select_n3A_104, %reduce_min3A_105 [1] : vector<256x1280xi32> to vector<256xi32>
    %broadcast_in_dim3A_107 = vector.shape_cast %reduce_min3A_106 : vector<256xi32> to vector<256x1xi32>
    %and3A_108 = arith.constant 2047 : i32
    %and3A_109 = vector.broadcast %and3A_108 : i32 to vector<256x1xi32>
    %and3A_110 = arith.andi %broadcast_in_dim3A_107, %and3A_109 : vector<256x1xi32>
    %add3A_111 = vector.broadcast %mul3A_1 : i32 to vector<256x1xi32>
    %add3A_112 = arith.addi %and3A_110, %add3A_111 : vector<256x1xi32>
    %swap3A_113 = arith.constant 0 : index
    %swap3A_114 = arith.constant 3 : index
    %swap3A_115 = vector.load %arg14[%swap3A_113, %swap3A_114] : memref<256x16xi32, #tpu.memory_space<vmem>>, vector<256x1xi32>
    tpu.vector_store %arg14[%swap3A_113, %swap3A_114], %add3A_112 {strides = array<i32>} : memref<256x16xi32, #tpu.memory_space<vmem>>, vector<256x1xi32>,
    %gt3A_116 = vector.broadcast %broadcast_in_dim3A_107 : vector<256x1xi32> to vector<256x1280xi32>
    %gt3A_117 = arith.cmpi sgt, %or3A, %gt3A_116 : vector<256x1280xi32>
    %jit3A_118 = arith.constant 2147483647 : i32
    %broadcast_in_dim3A_119 = vector.broadcast %jit3A_118 : i32 to vector<256x1280xi32>
    %select_n3A_120 = arith.select %gt3A_117, %or3A, %broadcast_in_dim3A_119 : vector<256x1280xi1>, vector<256x1280xi32>
    %reduce_min3A_121 = arith.constant dense<2147483647> : vector<256xi32>
    %reduce_min3A_122 = vector.multi_reduction <minsi>, %select_n3A_120, %reduce_min3A_121 [1] : vector<256x1280xi32> to vector<256xi32>
    %broadcast_in_dim3A_123 = vector.shape_cast %reduce_min3A_122 : vector<256xi32> to vector<256x1xi32>
    %and3A_124 = arith.constant 2047 : i32
    %and3A_125 = vector.broadcast %and3A_124 : i32 to vector<256x1xi32>
    %and3A_126 = arith.andi %broadcast_in_dim3A_123, %and3A_125 : vector<256x1xi32>
    %add3A_127 = vector.broadcast %mul3A_1 : i32 to vector<256x1xi32>
    %add3A_128 = arith.addi %and3A_126, %add3A_127 : vector<256x1xi32>
    %swap3A_129 = arith.constant 0 : index
    %swap3A_130 = arith.constant 4 : index
    %swap3A_131 = vector.load %arg14[%swap3A_129, %swap3A_130] : memref<256x16xi32, #tpu.memory_space<vmem>>, vector<256x1xi32>
    tpu.vector_store %arg14[%swap3A_129, %swap3A_130], %add3A_128 {strides = array<i32>} : memref<256x16xi32, #tpu.memory_space<vmem>>, vector<256x1xi32>,
    %gt3A_132 = vector.broadcast %broadcast_in_dim3A_123 : vector<256x1xi32> to vector<256x1280xi32>
    %gt3A_133 = arith.cmpi sgt, %or3A, %gt3A_132 : vector<256x1280xi32>
    %jit3A_134 = arith.constant 2147483647 : i32
    %broadcast_in_dim3A_135 = vector.broadcast %jit3A_134 : i32 to vector<256x1280xi32>
    %select_n3A_136 = arith.select %gt3A_133, %or3A, %broadcast_in_dim3A_135 : vector<256x1280xi1>, vector<256x1280xi32>
    %reduce_min3A_137 = arith.constant dense<2147483647> : vector<256xi32>
    %reduce_min3A_138 = vector.multi_reduction <minsi>, %select_n3A_136, %reduce_min3A_137 [1] : vector<256x1280xi32> to vector<256xi32>
    %broadcast_in_dim3A_139 = vector.shape_cast %reduce_min3A_138 : vector<256xi32> to vector<256x1xi32>
    %and3A_140 = arith.constant 2047 : i32
    %and3A_141 = vector.broadcast %and3A_140 : i32 to vector<256x1xi32>
    %and3A_142 = arith.andi %broadcast_in_dim3A_139, %and3A_141 : vector<256x1xi32>
    %add3A_143 = vector.broadcast %mul3A_1 : i32 to vector<256x1xi32>
    %add3A_144 = arith.addi %and3A_142, %add3A_143 : vector<256x1xi32>
    %swap3A_145 = arith.constant 0 : index
    %swap3A_146 = arith.constant 5 : index
    %swap3A_147 = vector.load %arg14[%swap3A_145, %swap3A_146] : memref<256x16xi32, #tpu.memory_space<vmem>>, vector<256x1xi32>
    tpu.vector_store %arg14[%swap3A_145, %swap3A_146], %add3A_144 {strides = array<i32>} : memref<256x16xi32, #tpu.memory_space<vmem>>, vector<256x1xi32>,
    %gt3A_148 = vector.broadcast %broadcast_in_dim3A_139 : vector<256x1xi32> to vector<256x1280xi32>
    %gt3A_149 = arith.cmpi sgt, %or3A, %gt3A_148 : vector<256x1280xi32>
    %jit3A_150 = arith.constant 2147483647 : i32
    %broadcast_in_dim3A_151 = vector.broadcast %jit3A_150 : i32 to vector<256x1280xi32>
    %select_n3A_152 = arith.select %gt3A_149, %or3A, %broadcast_in_dim3A_151 : vector<256x1280xi1>, vector<256x1280xi32>
    %reduce_min3A_153 = arith.constant dense<2147483647> : vector<256xi32>
    %reduce_min3A_154 = vector.multi_reduction <minsi>, %select_n3A_152, %reduce_min3A_153 [1] : vector<256x1280xi32> to vector<256xi32>
    %broadcast_in_dim3A_155 = vector.shape_cast %reduce_min3A_154 : vector<256xi32> to vector<256x1xi32>
    %and3A_156 = arith.constant 2047 : i32
    %and3A_157 = vector.broadcast %and3A_156 : i32 to vector<256x1xi32>
    %and3A_158 = arith.andi %broadcast_in_dim3A_155, %and3A_157 : vector<256x1xi32>
    %add3A_159 = vector.broadcast %mul3A_1 : i32 to vector<256x1xi32>
    %add3A_160 = arith.addi %and3A_158, %add3A_159 : vector<256x1xi32>
    %swap3A_161 = arith.constant 0 : index
    %swap3A_162 = arith.constant 6 : index
    %swap3A_163 = vector.load %arg14[%swap3A_161, %swap3A_162] : memref<256x16xi32, #tpu.memory_space<vmem>>, vector<256x1xi32>
    tpu.vector_store %arg14[%swap3A_161, %swap3A_162], %add3A_160 {strides = array<i32>} : memref<256x16xi32, #tpu.memory_space<vmem>>, vector<256x1xi32>,
    %gt3A_164 = vector.broadcast %broadcast_in_dim3A_155 : vector<256x1xi32> to vector<256x1280xi32>
    %gt3A_165 = arith.cmpi sgt, %or3A, %gt3A_164 : vector<256x1280xi32>
    %jit3A_166 = arith.constant 2147483647 : i32
    %broadcast_in_dim3A_167 = vector.broadcast %jit3A_166 : i32 to vector<256x1280xi32>
    %select_n3A_168 = arith.select %gt3A_165, %or3A, %broadcast_in_dim3A_167 : vector<256x1280xi1>, vector<256x1280xi32>
    %reduce_min3A_169 = arith.constant dense<2147483647> : vector<256xi32>
    %reduce_min3A_170 = vector.multi_reduction <minsi>, %select_n3A_168, %reduce_min3A_169 [1] : vector<256x1280xi32> to vector<256xi32>
    %broadcast_in_dim3A_171 = vector.shape_cast %reduce_min3A_170 : vector<256xi32> to vector<256x1xi32>
    %and3A_172 = arith.constant 2047 : i32
    %and3A_173 = vector.broadcast %and3A_172 : i32 to vector<256x1xi32>
    %and3A_174 = arith.andi %broadcast_in_dim3A_171, %and3A_173 : vector<256x1xi32>
    %add3A_175 = vector.broadcast %mul3A_1 : i32 to vector<256x1xi32>
    %add3A_176 = arith.addi %and3A_174, %add3A_175 : vector<256x1xi32>
    %swap3A_177 = arith.constant 0 : index
    %swap3A_178 = arith.constant 7 : index
    %swap3A_179 = vector.load %arg14[%swap3A_177, %swap3A_178] : memref<256x16xi32, #tpu.memory_space<vmem>>, vector<256x1xi32>
    tpu.vector_store %arg14[%swap3A_177, %swap3A_178], %add3A_176 {strides = array<i32>} : memref<256x16xi32, #tpu.memory_space<vmem>>, vector<256x1xi32>,
    %gt3A_180 = vector.broadcast %broadcast_in_dim3A_171 : vector<256x1xi32> to vector<256x1280xi32>
    %gt3A_181 = arith.cmpi sgt, %or3A, %gt3A_180 : vector<256x1280xi32>
    %jit3A_182 = arith.constant 2147483647 : i32
    %broadcast_in_dim3A_183 = vector.broadcast %jit3A_182 : i32 to vector<256x1280xi32>
    %select_n3A_184 = arith.select %gt3A_181, %or3A, %broadcast_in_dim3A_183 : vector<256x1280xi1>, vector<256x1280xi32>
    %reduce_min3A_185 = arith.constant dense<2147483647> : vector<256xi32>
    %reduce_min3A_186 = vector.multi_reduction <minsi>, %select_n3A_184, %reduce_min3A_185 [1] : vector<256x1280xi32> to vector<256xi32>
    %broadcast_in_dim3A_187 = vector.shape_cast %reduce_min3A_186 : vector<256xi32> to vector<256x1xi32>
    %and3A_188 = arith.constant 2047 : i32
    %and3A_189 = vector.broadcast %and3A_188 : i32 to vector<256x1xi32>
    %and3A_190 = arith.andi %broadcast_in_dim3A_187, %and3A_189 : vector<256x1xi32>
    %add3A_191 = vector.broadcast %mul3A_1 : i32 to vector<256x1xi32>
    %add3A_192 = arith.addi %and3A_190, %add3A_191 : vector<256x1xi32>
    %swap3A_193 = arith.constant 0 : index
    %swap3A_194 = arith.constant 8 : index
    %swap3A_195 = vector.load %arg14[%swap3A_193, %swap3A_194] : memref<256x16xi32, #tpu.memory_space<vmem>>, vector<256x1xi32>
    tpu.vector_store %arg14[%swap3A_193, %swap3A_194], %add3A_192 {strides = array<i32>} : memref<256x16xi32, #tpu.memory_space<vmem>>, vector<256x1xi32>,
    %gt3A_196 = vector.broadcast %broadcast_in_dim3A_187 : vector<256x1xi32> to vector<256x1280xi32>
    %gt3A_197 = arith.cmpi sgt, %or3A, %gt3A_196 : vector<256x1280xi32>
    %jit3A_198 = arith.constant 2147483647 : i32
    %broadcast_in_dim3A_199 = vector.broadcast %jit3A_198 : i32 to vector<256x1280xi32>
    %select_n3A_200 = arith.select %gt3A_197, %or3A, %broadcast_in_dim3A_199 : vector<256x1280xi1>, vector<256x1280xi32>
    %reduce_min3A_201 = arith.constant dense<2147483647> : vector<256xi32>
    %reduce_min3A_202 = vector.multi_reduction <minsi>, %select_n3A_200, %reduce_min3A_201 [1] : vector<256x1280xi32> to vector<256xi32>
    %broadcast_in_dim3A_203 = vector.shape_cast %reduce_min3A_202 : vector<256xi32> to vector<256x1xi32>
    %and3A_204 = arith.constant 2047 : i32
    %and3A_205 = vector.broadcast %and3A_204 : i32 to vector<256x1xi32>
    %and3A_206 = arith.andi %broadcast_in_dim3A_203, %and3A_205 : vector<256x1xi32>
    %add3A_207 = vector.broadcast %mul3A_1 : i32 to vector<256x1xi32>
    %add3A_208 = arith.addi %and3A_206, %add3A_207 : vector<256x1xi32>
    %swap3A_209 = arith.constant 0 : index
    %swap3A_210 = arith.constant 9 : index
    %swap3A_211 = vector.load %arg14[%swap3A_209, %swap3A_210] : memref<256x16xi32, #tpu.memory_space<vmem>>, vector<256x1xi32>
    tpu.vector_store %arg14[%swap3A_209, %swap3A_210], %add3A_208 {strides = array<i32>} : memref<256x16xi32, #tpu.memory_space<vmem>>, vector<256x1xi32>,
    %gt3A_212 = vector.broadcast %broadcast_in_dim3A_203 : vector<256x1xi32> to vector<256x1280xi32>
    %gt3A_213 = arith.cmpi sgt, %or3A, %gt3A_212 : vector<256x1280xi32>
    %jit3A_214 = arith.constant 2147483647 : i32
    %broadcast_in_dim3A_215 = vector.broadcast %jit3A_214 : i32 to vector<256x1280xi32>
    %select_n3A_216 = arith.select %gt3A_213, %or3A, %broadcast_in_dim3A_215 : vector<256x1280xi1>, vector<256x1280xi32>
    %reduce_min3A_217 = arith.constant dense<2147483647> : vector<256xi32>
    %reduce_min3A_218 = vector.multi_reduction <minsi>, %select_n3A_216, %reduce_min3A_217 [1] : vector<256x1280xi32> to vector<256xi32>
    %broadcast_in_dim3A_219 = vector.shape_cast %reduce_min3A_218 : vector<256xi32> to vector<256x1xi32>
    %and3A_220 = arith.constant 2047 : i32
    %and3A_221 = vector.broadcast %and3A_220 : i32 to vector<256x1xi32>
    %and3A_222 = arith.andi %broadcast_in_dim3A_219, %and3A_221 : vector<256x1xi32>
    %add3A_223 = vector.broadcast %mul3A_1 : i32 to vector<256x1xi32>
    %add3A_224 = arith.addi %and3A_222, %add3A_223 : vector<256x1xi32>
    %swap3A_225 = arith.constant 0 : index
    %swap3A_226 = arith.constant 10 : index
    %swap3A_227 = vector.load %arg14[%swap3A_225, %swap3A_226] : memref<256x16xi32, #tpu.memory_space<vmem>>, vector<256x1xi32>
    tpu.vector_store %arg14[%swap3A_225, %swap3A_226], %add3A_224 {strides = array<i32>} : memref<256x16xi32, #tpu.memory_space<vmem>>, vector<256x1xi32>,
    %gt3A_228 = vector.broadcast %broadcast_in_dim3A_219 : vector<256x1xi32> to vector<256x1280xi32>
    %gt3A_229 = arith.cmpi sgt, %or3A, %gt3A_228 : vector<256x1280xi32>
    %jit3A_230 = arith.constant 2147483647 : i32
    %broadcast_in_dim3A_231 = vector.broadcast %jit3A_230 : i32 to vector<256x1280xi32>
    %select_n3A_232 = arith.select %gt3A_229, %or3A, %broadcast_in_dim3A_231 : vector<256x1280xi1>, vector<256x1280xi32>
    %reduce_min3A_233 = arith.constant dense<2147483647> : vector<256xi32>
    %reduce_min3A_234 = vector.multi_reduction <minsi>, %select_n3A_232, %reduce_min3A_233 [1] : vector<256x1280xi32> to vector<256xi32>
    %broadcast_in_dim3A_235 = vector.shape_cast %reduce_min3A_234 : vector<256xi32> to vector<256x1xi32>
    %and3A_236 = arith.constant 2047 : i32
    %and3A_237 = vector.broadcast %and3A_236 : i32 to vector<256x1xi32>
    %and3A_238 = arith.andi %broadcast_in_dim3A_235, %and3A_237 : vector<256x1xi32>
    %add3A_239 = vector.broadcast %mul3A_1 : i32 to vector<256x1xi32>
    %add3A_240 = arith.addi %and3A_238, %add3A_239 : vector<256x1xi32>
    %swap3A_241 = arith.constant 0 : index
    %swap3A_242 = arith.constant 11 : index
    %swap3A_243 = vector.load %arg14[%swap3A_241, %swap3A_242] : memref<256x16xi32, #tpu.memory_space<vmem>>, vector<256x1xi32>
    tpu.vector_store %arg14[%swap3A_241, %swap3A_242], %add3A_240 {strides = array<i32>} : memref<256x16xi32, #tpu.memory_space<vmem>>, vector<256x1xi32>,
    %gt3A_244 = vector.broadcast %broadcast_in_dim3A_235 : vector<256x1xi32> to vector<256x1280xi32>
    %gt3A_245 = arith.cmpi sgt, %or3A, %gt3A_244 : vector<256x1280xi32>
    %jit3A_246 = arith.constant 2147483647 : i32
    %broadcast_in_dim3A_247 = vector.broadcast %jit3A_246 : i32 to vector<256x1280xi32>
    %select_n3A_248 = arith.select %gt3A_245, %or3A, %broadcast_in_dim3A_247 : vector<256x1280xi1>, vector<256x1280xi32>
    %reduce_min3A_249 = arith.constant dense<2147483647> : vector<256xi32>
    %reduce_min3A_250 = vector.multi_reduction <minsi>, %select_n3A_248, %reduce_min3A_249 [1] : vector<256x1280xi32> to vector<256xi32>
    %broadcast_in_dim3A_251 = vector.shape_cast %reduce_min3A_250 : vector<256xi32> to vector<256x1xi32>
    %and3A_252 = arith.constant 2047 : i32
    %and3A_253 = vector.broadcast %and3A_252 : i32 to vector<256x1xi32>
    %and3A_254 = arith.andi %broadcast_in_dim3A_251, %and3A_253 : vector<256x1xi32>
    %add3A_255 = vector.broadcast %mul3A_1 : i32 to vector<256x1xi32>
    %add3A_256 = arith.addi %and3A_254, %add3A_255 : vector<256x1xi32>
    %swap3A_257 = arith.constant 0 : index
    %swap3A_258 = arith.constant 12 : index
    %swap3A_259 = vector.load %arg14[%swap3A_257, %swap3A_258] : memref<256x16xi32, #tpu.memory_space<vmem>>, vector<256x1xi32>
    tpu.vector_store %arg14[%swap3A_257, %swap3A_258], %add3A_256 {strides = array<i32>} : memref<256x16xi32, #tpu.memory_space<vmem>>, vector<256x1xi32>,
    %gt3A_260 = vector.broadcast %broadcast_in_dim3A_251 : vector<256x1xi32> to vector<256x1280xi32>
    %gt3A_261 = arith.cmpi sgt, %or3A, %gt3A_260 : vector<256x1280xi32>
    %jit3A_262 = arith.constant 2147483647 : i32
    %broadcast_in_dim3A_263 = vector.broadcast %jit3A_262 : i32 to vector<256x1280xi32>
    %select_n3A_264 = arith.select %gt3A_261, %or3A, %broadcast_in_dim3A_263 : vector<256x1280xi1>, vector<256x1280xi32>
    %reduce_min3A_265 = arith.constant dense<2147483647> : vector<256xi32>
    %reduce_min3A_266 = vector.multi_reduction <minsi>, %select_n3A_264, %reduce_min3A_265 [1] : vector<256x1280xi32> to vector<256xi32>
    %broadcast_in_dim3A_267 = vector.shape_cast %reduce_min3A_266 : vector<256xi32> to vector<256x1xi32>
    %and3A_268 = arith.constant 2047 : i32
    %and3A_269 = vector.broadcast %and3A_268 : i32 to vector<256x1xi32>
    %and3A_270 = arith.andi %broadcast_in_dim3A_267, %and3A_269 : vector<256x1xi32>
    %add3A_271 = vector.broadcast %mul3A_1 : i32 to vector<256x1xi32>
    %add3A_272 = arith.addi %and3A_270, %add3A_271 : vector<256x1xi32>
    %swap3A_273 = arith.constant 0 : index
    %swap3A_274 = arith.constant 13 : index
    %swap3A_275 = vector.load %arg14[%swap3A_273, %swap3A_274] : memref<256x16xi32, #tpu.memory_space<vmem>>, vector<256x1xi32>
    tpu.vector_store %arg14[%swap3A_273, %swap3A_274], %add3A_272 {strides = array<i32>} : memref<256x16xi32, #tpu.memory_space<vmem>>, vector<256x1xi32>,
    %gt3A_276 = vector.broadcast %broadcast_in_dim3A_267 : vector<256x1xi32> to vector<256x1280xi32>
    %gt3A_277 = arith.cmpi sgt, %or3A, %gt3A_276 : vector<256x1280xi32>
    %jit3A_278 = arith.constant 2147483647 : i32
    %broadcast_in_dim3A_279 = vector.broadcast %jit3A_278 : i32 to vector<256x1280xi32>
    %select_n3A_280 = arith.select %gt3A_277, %or3A, %broadcast_in_dim3A_279 : vector<256x1280xi1>, vector<256x1280xi32>
    %reduce_min3A_281 = arith.constant dense<2147483647> : vector<256xi32>
    %reduce_min3A_282 = vector.multi_reduction <minsi>, %select_n3A_280, %reduce_min3A_281 [1] : vector<256x1280xi32> to vector<256xi32>
    %broadcast_in_dim3A_283 = vector.shape_cast %reduce_min3A_282 : vector<256xi32> to vector<256x1xi32>
    %and3A_284 = arith.constant 2047 : i32
    %and3A_285 = vector.broadcast %and3A_284 : i32 to vector<256x1xi32>
    %and3A_286 = arith.andi %broadcast_in_dim3A_283, %and3A_285 : vector<256x1xi32>
    %add3A_287 = vector.broadcast %mul3A_1 : i32 to vector<256x1xi32>
    %add3A_288 = arith.addi %and3A_286, %add3A_287 : vector<256x1xi32>
    %swap3A_289 = arith.constant 0 : index
    %swap3A_290 = arith.constant 14 : index
    %swap3A_291 = vector.load %arg14[%swap3A_289, %swap3A_290] : memref<256x16xi32, #tpu.memory_space<vmem>>, vector<256x1xi32>
    tpu.vector_store %arg14[%swap3A_289, %swap3A_290], %add3A_288 {strides = array<i32>} : memref<256x16xi32, #tpu.memory_space<vmem>>, vector<256x1xi32>,
    %gt3A_292 = vector.broadcast %broadcast_in_dim3A_283 : vector<256x1xi32> to vector<256x1280xi32>
    %gt3A_293 = arith.cmpi sgt, %or3A, %gt3A_292 : vector<256x1280xi32>
    %jit3A_294 = arith.constant 2147483647 : i32
    %broadcast_in_dim3A_295 = vector.broadcast %jit3A_294 : i32 to vector<256x1280xi32>
    %select_n3A_296 = arith.select %gt3A_293, %or3A, %broadcast_in_dim3A_295 : vector<256x1280xi1>, vector<256x1280xi32>
    %reduce_min3A_297 = arith.constant dense<2147483647> : vector<256xi32>
    %reduce_min3A_298 = vector.multi_reduction <minsi>, %select_n3A_296, %reduce_min3A_297 [1] : vector<256x1280xi32> to vector<256xi32>
    %broadcast_in_dim3A_299 = vector.shape_cast %reduce_min3A_298 : vector<256xi32> to vector<256x1xi32>
    %and3A_300 = arith.constant 2047 : i32
    %and3A_301 = vector.broadcast %and3A_300 : i32 to vector<256x1xi32>
    %and3A_302 = arith.andi %broadcast_in_dim3A_299, %and3A_301 : vector<256x1xi32>
    %add3A_303 = vector.broadcast %mul3A_1 : i32 to vector<256x1xi32>
    %add3A_304 = arith.addi %and3A_302, %add3A_303 : vector<256x1xi32>
    %swap3A_305 = arith.constant 0 : index
    %swap3A_306 = arith.constant 15 : index
    %swap3A_307 = vector.load %arg14[%swap3A_305, %swap3A_306] : memref<256x16xi32, #tpu.memory_space<vmem>>, vector<256x1xi32>
    tpu.vector_store %arg14[%swap3A_305, %swap3A_306], %add3A_304 {strides = array<i32>} : memref<256x16xi32, #tpu.memory_space<vmem>>, vector<256x1xi32>,
    return
  }
  func.func @transform_0(%arg0: i32, %arg1: memref<16xi32, #tpu.memory_space<smem>>) -> (i32, i32) {
    %c0_i32 = arith.constant 0 : i32
    %c0_i32_0 = arith.constant 0 : i32
    return %arg0, %c0_i32 : i32, i32
  }
  func.func @transform_1(%arg0: i32, %arg1: memref<16xi32, #tpu.memory_space<smem>>) -> (i32, i32) {
    %get3A = arith.index_cast %arg0 : i32 to index
    %get3A_0 = memref.load %arg1[%get3A] : memref<16xi32, #tpu.memory_space<smem>>
    %add3A = arith.constant 0 : i32
    %add3A_1 = arith.addi %get3A_0, %add3A : i32
    %c0_i32 = arith.constant 0 : i32
    %c0_i32_2 = arith.constant 0 : i32
    return %add3A_1, %c0_i32 : i32, i32
  }
  func.func @transform_2(%arg0: i32, %arg1: memref<16xi32, #tpu.memory_space<smem>>) -> (i32, i32) {
    %get3A = arith.index_cast %arg0 : i32 to index
    %get3A_0 = memref.load %arg1[%get3A] : memref<16xi32, #tpu.memory_space<smem>>
    %add3A = arith.constant 1 : i32
    %add3A_1 = arith.addi %get3A_0, %add3A : i32
    %c0_i32 = arith.constant 0 : i32
    %c0_i32_2 = arith.constant 0 : i32
    return %add3A_1, %c0_i32 : i32, i32
  }
  func.func @transform_3(%arg0: i32, %arg1: memref<16xi32, #tpu.memory_space<smem>>) -> (i32, i32) {
    %get3A = arith.index_cast %arg0 : i32 to index
    %get3A_0 = memref.load %arg1[%get3A] : memref<16xi32, #tpu.memory_space<smem>>
    %add3A = arith.constant 2 : i32
    %add3A_1 = arith.addi %get3A_0, %add3A : i32
    %c0_i32 = arith.constant 0 : i32
    %c0_i32_2 = arith.constant 0 : i32
    return %add3A_1, %c0_i32 : i32, i32
  }
  func.func @transform_4(%arg0: i32, %arg1: memref<16xi32, #tpu.memory_space<smem>>) -> (i32, i32) {
    %get3A = arith.index_cast %arg0 : i32 to index
    %get3A_0 = memref.load %arg1[%get3A] : memref<16xi32, #tpu.memory_space<smem>>
    %add3A = arith.constant 3 : i32
    %add3A_1 = arith.addi %get3A_0, %add3A : i32
    %c0_i32 = arith.constant 0 : i32
    %c0_i32_2 = arith.constant 0 : i32
    return %add3A_1, %c0_i32 : i32, i32
  }
  func.func @transform_5(%arg0: i32, %arg1: memref<16xi32, #tpu.memory_space<smem>>) -> (i32, i32) {
    %get3A = arith.index_cast %arg0 : i32 to index
    %get3A_0 = memref.load %arg1[%get3A] : memref<16xi32, #tpu.memory_space<smem>>
    %add3A = arith.constant 4 : i32
    %add3A_1 = arith.addi %get3A_0, %add3A : i32
    %c0_i32 = arith.constant 0 : i32
    %c0_i32_2 = arith.constant 0 : i32
    return %add3A_1, %c0_i32 : i32, i32
  }
  func.func @transform_6(%arg0: i32, %arg1: memref<16xi32, #tpu.memory_space<smem>>) -> (i32, i32) {
    %c0_i32 = arith.constant 0 : i32
    %c0_i32_0 = arith.constant 0 : i32
    return %arg0, %c0_i32 : i32, i32
  }
  func.func @transform_7(%arg0: i32, %arg1: memref<16xi32, #tpu.memory_space<smem>>) -> (i32, i32) {
    %get3A = arith.index_cast %arg0 : i32 to index
    %get3A_0 = memref.load %arg1[%get3A] : memref<16xi32, #tpu.memory_space<smem>>
    %add3A = arith.constant 0 : i32
    %add3A_1 = arith.addi %get3A_0, %add3A : i32
    %c0_i32 = arith.constant 0 : i32
    %c0_i32_2 = arith.constant 0 : i32
    return %c0_i32, %add3A_1 : i32, i32
  }
  func.func @transform_8(%arg0: i32, %arg1: memref<16xi32, #tpu.memory_space<smem>>) -> (i32, i32) {
    %get3A = arith.index_cast %arg0 : i32 to index
    %get3A_0 = memref.load %arg1[%get3A] : memref<16xi32, #tpu.memory_space<smem>>
    %add3A = arith.constant 1 : i32
    %add3A_1 = arith.addi %get3A_0, %add3A : i32
    %c0_i32 = arith.constant 0 : i32
    %c0_i32_2 = arith.constant 0 : i32
    return %c0_i32, %add3A_1 : i32, i32
  }
  func.func @transform_9(%arg0: i32, %arg1: memref<16xi32, #tpu.memory_space<smem>>) -> (i32, i32) {
    %get3A = arith.index_cast %arg0 : i32 to index
    %get3A_0 = memref.load %arg1[%get3A] : memref<16xi32, #tpu.memory_space<smem>>
    %add3A = arith.constant 2 : i32
    %add3A_1 = arith.addi %get3A_0, %add3A : i32
    %c0_i32 = arith.constant 0 : i32
    %c0_i32_2 = arith.constant 0 : i32
    return %c0_i32, %add3A_1 : i32, i32
  }
  func.func @transform_10(%arg0: i32, %arg1: memref<16xi32, #tpu.memory_space<smem>>) -> (i32, i32) {
    %get3A = arith.index_cast %arg0 : i32 to index
    %get3A_0 = memref.load %arg1[%get3A] : memref<16xi32, #tpu.memory_space<smem>>
    %add3A = arith.constant 3 : i32
    %add3A_1 = arith.addi %get3A_0, %add3A : i32
    %c0_i32 = arith.constant 0 : i32
    %c0_i32_2 = arith.constant 0 : i32
    return %c0_i32, %add3A_1 : i32, i32
  }
  func.func @transform_11(%arg0: i32, %arg1: memref<16xi32, #tpu.memory_space<smem>>) -> (i32, i32) {
    %get3A = arith.index_cast %arg0 : i32 to index
    %get3A_0 = memref.load %arg1[%get3A] : memref<16xi32, #tpu.memory_space<smem>>
    %add3A = arith.constant 4 : i32
    %add3A_1 = arith.addi %get3A_0, %add3A : i32
    %c0_i32 = arith.constant 0 : i32
    %c0_i32_2 = arith.constant 0 : i32
    return %c0_i32, %add3A_1 : i32, i32
  }
  func.func @transform_12(%arg0: i32, %arg1: memref<16xi32, #tpu.memory_space<smem>>) -> (i32, i32) {
    %c0_i32 = arith.constant 0 : i32
    %c0_i32_0 = arith.constant 0 : i32
    return %arg0, %c0_i32 : i32, i32
  }
}

module attributes {stable_mosaic.version = 14 : i64} {
  func.func @_edge_body(%arg0: i32, %arg1: memref<512x256xf32, #tpu.memory_space<vmem>>, %arg2: memref<8192x128xf32, #tpu.memory_space<vmem>>, %arg3: memref<512x1xf32, #tpu.memory_space<vmem>>, %arg4: memref<128x256xf32, #tpu.memory_space<vmem>>, %arg5: memref<256x256xf32, #tpu.memory_space<vmem>>, %arg6: memref<256x256xf32, #tpu.memory_space<vmem>>, %arg7: memref<1x256xf32, #tpu.memory_space<vmem>>, %arg8: memref<1x256xf32, #tpu.memory_space<vmem>>, %arg9: memref<1x256xf32, #tpu.memory_space<vmem>>, %arg10: memref<16x256xf32, #tpu.memory_space<vmem>>, %arg11: memref<16x256xf32, #tpu.memory_space<vmem>>) attributes {dimension_semantics = [#tpu.dimension_semantics<arbitrary>], iteration_bounds = array<i64: 8>, scalar_prefetch = 0 : i64, scratch_operands = 0 : i64, tpu.core_type = #tpu.core_type<tc>, window_params = [{transform_indices = @transform_0, window_bounds = array<i64: 512, 256>}, {transform_indices = @transform_1, window_bounds = array<i64: 8192, 128>}, {transform_indices = @transform_2, window_bounds = array<i64: 512, 1>}, {pipeline_mode = #tpu.pipeline_mode<synchronous>, transform_indices = @transform_3, window_bounds = array<i64: 128, 256>}, {pipeline_mode = #tpu.pipeline_mode<synchronous>, transform_indices = @transform_4, window_bounds = array<i64: 256, 256>}, {pipeline_mode = #tpu.pipeline_mode<synchronous>, transform_indices = @transform_5, window_bounds = array<i64: 256, 256>}, {pipeline_mode = #tpu.pipeline_mode<synchronous>, transform_indices = @transform_6, window_bounds = array<i64: 1, 256>}, {pipeline_mode = #tpu.pipeline_mode<synchronous>, transform_indices = @transform_7, window_bounds = array<i64: 1, 256>}, {pipeline_mode = #tpu.pipeline_mode<synchronous>, transform_indices = @transform_8, window_bounds = array<i64: 1, 256>}, {pipeline_mode = #tpu.pipeline_mode<synchronous>, transform_indices = @transform_9, window_bounds = array<i64: 16, 256>}, {pipeline_mode = #tpu.pipeline_mode<synchronous>, transform_indices = @transform_10, window_bounds = array<i64: 16, 256>}]} {
    %eq3A = arith.constant 0 : i32
    %eq3A_0 = arith.cmpi eq, %arg0, %eq3A : i32
    %convert_element_type3A = arith.extui %eq3A_0 : i1 to i32
    %cond3A = arith.constant 0 : i32
    %cond3A_1 = arith.cmpi ne, %convert_element_type3A, %cond3A : i32
    scf.if %cond3A_1 {
      %broadcast_in_dim3A_79 = arith.constant 0.000000e+00 : f32
      %broadcast_in_dim3A_80 = vector.broadcast %broadcast_in_dim3A_79 : f32 to vector<16x256xf32>
      %swap3A_81 = arith.constant 0 : index
      %swap3A_82 = arith.constant 0 : index
      %swap3A_83 = vector.load %arg10[%swap3A_81, %swap3A_82] : memref<16x256xf32, #tpu.memory_space<vmem>>, vector<16x256xf32>
      tpu.vector_store %arg10[%swap3A_81, %swap3A_82], %broadcast_in_dim3A_80 {strides = array<i32>} : memref<16x256xf32, #tpu.memory_space<vmem>>, vector<16x256xf32>,
      %broadcast_in_dim3A_84 = arith.constant 0.000000e+00 : f32
      %broadcast_in_dim3A_85 = vector.broadcast %broadcast_in_dim3A_84 : f32 to vector<16x256xf32>
      %swap3A_86 = arith.constant 0 : index
      %swap3A_87 = arith.constant 0 : index
      %swap3A_88 = vector.load %arg11[%swap3A_86, %swap3A_87] : memref<16x256xf32, #tpu.memory_space<vmem>>, vector<16x256xf32>
      tpu.vector_store %arg11[%swap3A_86, %swap3A_87], %broadcast_in_dim3A_85 {strides = array<i32>} : memref<16x256xf32, #tpu.memory_space<vmem>>, vector<16x256xf32>,
    } else {
    }
    %get3A = arith.constant 0 : index
    %get3A_2 = arith.constant 0 : index
    %get3A_3 = vector.load %arg1[%get3A, %get3A_2] : memref<512x256xf32, #tpu.memory_space<vmem>>, vector<512x256xf32>
    %broadcast_in_dim3A = vector.shape_cast %get3A_3 : vector<512x256xf32> to vector<512x1x256xf32>
    %broadcast_in_dim3A_4 = vector.shape_cast %broadcast_in_dim3A : vector<512x1x256xf32> to vector<512x1x256xf32>
    %broadcast_in_dim3A_5 = vector.broadcast %broadcast_in_dim3A_4 : vector<512x1x256xf32> to vector<512x16x256xf32>
    %reshape3A = vector.shape_cast %broadcast_in_dim3A_5 : vector<512x16x256xf32> to vector<8192x256xf32>
    %get3A_6 = arith.constant 0 : index
    %get3A_7 = arith.constant 0 : index
    %get3A_8 = vector.load %arg2[%get3A_6, %get3A_7] : memref<8192x128xf32, #tpu.memory_space<vmem>>, vector<8192x128xf32>
    %get3A_9 = arith.constant 0 : index
    %get3A_10 = arith.constant 0 : index
    %get3A_11 = vector.load %arg4[%get3A_9, %get3A_10] : memref<128x256xf32, #tpu.memory_space<vmem>>, vector<128x256xf32>
    %dot_general3A = arith.constant dense<0.000000e+00> : vector<8192x256xf32>
    %dot_general3A_12 = tpu.matmul %get3A_8, %get3A_11, %dot_general3A {dimension_numbers = #tpu.dot_dimension_numbers<[1], [0], [0], [1], [0, 0, 1, 1], [], []>, transpose_lhs_hint = false} : vector<8192x128xf32>, vector<128x256xf32>, vector<8192x256xf32> -> vector<8192x256xf32>
    %add3A = arith.addf %reshape3A, %dot_general3A_12 : vector<8192x256xf32>
    %get3A_13 = arith.constant 0 : index
    %get3A_14 = arith.constant 0 : index
    %get3A_15 = vector.load %arg7[%get3A_13, %get3A_14] : memref<1x256xf32, #tpu.memory_space<vmem>>, vector<1x256xf32>
    %add3A_16 = vector.broadcast %get3A_15 : vector<1x256xf32> to vector<8192x256xf32>
    %add3A_17 = arith.addf %add3A, %add3A_16 : vector<8192x256xf32>
    %max3A = arith.constant 0.000000e+00 : f32
    %max3A_18 = vector.broadcast %max3A : f32 to vector<8192x256xf32>
    %max3A_19 = arith.maximumf %add3A_17, %max3A_18 : vector<8192x256xf32>
    %get3A_20 = arith.constant 0 : index
    %get3A_21 = arith.constant 0 : index
    %get3A_22 = vector.load %arg5[%get3A_20, %get3A_21] : memref<256x256xf32, #tpu.memory_space<vmem>>, vector<256x256xf32>
    %dot_general3A_23 = arith.constant dense<0.000000e+00> : vector<8192x256xf32>
    %dot_general3A_24 = tpu.matmul %max3A_19, %get3A_22, %dot_general3A_23 {dimension_numbers = #tpu.dot_dimension_numbers<[1], [0], [0], [1], [0, 0, 1, 1], [], []>, transpose_lhs_hint = false} : vector<8192x256xf32>, vector<256x256xf32>, vector<8192x256xf32> -> vector<8192x256xf32>
    %get3A_25 = arith.constant 0 : index
    %get3A_26 = arith.constant 0 : index
    %get3A_27 = vector.load %arg8[%get3A_25, %get3A_26] : memref<1x256xf32, #tpu.memory_space<vmem>>, vector<1x256xf32>
    %add3A_28 = vector.broadcast %get3A_27 : vector<1x256xf32> to vector<8192x256xf32>
    %add3A_29 = arith.addf %dot_general3A_24, %add3A_28 : vector<8192x256xf32>
    %max3A_30 = arith.constant 0.000000e+00 : f32
    %max3A_31 = vector.broadcast %max3A_30 : f32 to vector<8192x256xf32>
    %max3A_32 = arith.maximumf %add3A_29, %max3A_31 : vector<8192x256xf32>
    %get3A_33 = arith.constant 0 : index
    %get3A_34 = arith.constant 0 : index
    %get3A_35 = vector.load %arg6[%get3A_33, %get3A_34] : memref<256x256xf32, #tpu.memory_space<vmem>>, vector<256x256xf32>
    %dot_general3A_36 = arith.constant dense<0.000000e+00> : vector<8192x256xf32>
    %dot_general3A_37 = tpu.matmul %max3A_32, %get3A_35, %dot_general3A_36 {dimension_numbers = #tpu.dot_dimension_numbers<[1], [0], [0], [1], [0, 0, 1, 1], [], []>, transpose_lhs_hint = false} : vector<8192x256xf32>, vector<256x256xf32>, vector<8192x256xf32> -> vector<8192x256xf32>
    %get3A_38 = arith.constant 0 : index
    %get3A_39 = arith.constant 0 : index
    %get3A_40 = vector.load %arg9[%get3A_38, %get3A_39] : memref<1x256xf32, #tpu.memory_space<vmem>>, vector<1x256xf32>
    %add3A_41 = vector.broadcast %get3A_40 : vector<1x256xf32> to vector<8192x256xf32>
    %add3A_42 = arith.addf %dot_general3A_37, %add3A_41 : vector<8192x256xf32>
    %max3A_43 = arith.constant 0.000000e+00 : f32
    %max3A_44 = vector.broadcast %max3A_43 : f32 to vector<8192x256xf32>
    %max3A_45 = arith.maximumf %add3A_42, %max3A_44 : vector<8192x256xf32>
    %reshape3A_46 = vector.shape_cast %max3A_45 : vector<8192x256xf32> to vector<512x16x256xf32>
    %reduce_sum3A = arith.constant dense<0.000000e+00> : vector<512x256xf32>
    %reduce_sum3A_47 = vector.multi_reduction <add>, %reshape3A_46, %reduce_sum3A [1] : vector<512x16x256xf32> to vector<512x256xf32>
    %div3A = arith.constant 1.600000e+01 : f32
    %div3A_48 = vector.broadcast %div3A : f32 to vector<512x256xf32>
    %div3A_49 = arith.divf %reduce_sum3A_47, %div3A_48 : vector<512x256xf32>
    %iota3A = tpu.iota {dimensions = array<i32: 1>} : vector<1x16xi32>
    %convert_element_type3A_50 = arith.sitofp %iota3A : vector<1x16xi32> to vector<1x16xf32>
    %get3A_51 = arith.constant 0 : index
    %get3A_52 = arith.constant 0 : index
    %get3A_53 = vector.load %arg3[%get3A_51, %get3A_52] : memref<512x1xf32, #tpu.memory_space<vmem>>, vector<512x1xf32>
    %eq3A_54 = vector.broadcast %get3A_53 : vector<512x1xf32> to vector<512x16xf32>
    %eq3A_55 = vector.broadcast %convert_element_type3A_50 : vector<1x16xf32> to vector<512x16xf32>
    %eq3A_56 = arith.cmpf oeq, %eq3A_54, %eq3A_55 : vector<512x16xf32>
    %convert_element_type3A_57 = arith.extui %eq3A_56 : vector<512x16xi1> to vector<512x16xi32>
    %convert_element_type3A_58 = arith.sitofp %convert_element_type3A_57 : vector<512x16xi32> to vector<512x16xf32>
    %get3A_59 = arith.constant 0 : index
    %get3A_60 = arith.constant 0 : index
    %get3A_61 = vector.load %arg10[%get3A_59, %get3A_60] : memref<16x256xf32, #tpu.memory_space<vmem>>, vector<16x256xf32>
    %dot_general3A_62 = arith.constant dense<0.000000e+00> : vector<16x256xf32>
    %dot_general3A_63 = tpu.matmul %convert_element_type3A_58, %div3A_49, %dot_general3A_62 {dimension_numbers = #tpu.dot_dimension_numbers<[0], [0], [1], [1], [0, 1, 1, 1], [], []>, transpose_lhs_hint = false} : vector<512x16xf32>, vector<512x256xf32>, vector<16x256xf32> -> vector<16x256xf32>
    %add3A_64 = arith.addf %get3A_61, %dot_general3A_63 : vector<16x256xf32>
    %swap3A = arith.constant 0 : index
    %swap3A_65 = arith.constant 0 : index
    %swap3A_66 = vector.load %arg10[%swap3A, %swap3A_65] : memref<16x256xf32, #tpu.memory_space<vmem>>, vector<16x256xf32>
    tpu.vector_store %arg10[%swap3A, %swap3A_65], %add3A_64 {strides = array<i32>} : memref<16x256xf32, #tpu.memory_space<vmem>>, vector<16x256xf32>,
    %get3A_67 = arith.constant 0 : index
    %get3A_68 = arith.constant 0 : index
    %get3A_69 = vector.load %arg11[%get3A_67, %get3A_68] : memref<16x256xf32, #tpu.memory_space<vmem>>, vector<16x256xf32>
    %reduce_sum3A_70 = arith.constant dense<0.000000e+00> : vector<16xf32>
    %reduce_sum3A_71 = vector.multi_reduction <add>, %convert_element_type3A_58, %reduce_sum3A_70 [0] : vector<512x16xf32> to vector<16xf32>
    %broadcast_in_dim3A_72 = vector.shape_cast %reduce_sum3A_71 : vector<16xf32> to vector<16x1xf32>
    %broadcast_in_dim3A_73 = vector.shape_cast %broadcast_in_dim3A_72 : vector<16x1xf32> to vector<16x1xf32>
    %broadcast_in_dim3A_74 = vector.broadcast %broadcast_in_dim3A_73 : vector<16x1xf32> to vector<16x256xf32>
    %add3A_75 = arith.addf %get3A_69, %broadcast_in_dim3A_74 : vector<16x256xf32>
    %swap3A_76 = arith.constant 0 : index
    %swap3A_77 = arith.constant 0 : index
    %swap3A_78 = vector.load %arg11[%swap3A_76, %swap3A_77] : memref<16x256xf32, #tpu.memory_space<vmem>>, vector<16x256xf32>
    tpu.vector_store %arg11[%swap3A_76, %swap3A_77], %add3A_75 {strides = array<i32>} : memref<16x256xf32, #tpu.memory_space<vmem>>, vector<16x256xf32>,
    return
  }
  func.func @transform_0(%arg0: i32) -> (i32, i32) {
    %c0_i32 = arith.constant 0 : i32
    %c0_i32_0 = arith.constant 0 : i32
    return %arg0, %c0_i32 : i32, i32
  }
  func.func @transform_1(%arg0: i32) -> (i32, i32) {
    %c0_i32 = arith.constant 0 : i32
    %c0_i32_0 = arith.constant 0 : i32
    return %arg0, %c0_i32 : i32, i32
  }
  func.func @transform_2(%arg0: i32) -> (i32, i32) {
    %c0_i32 = arith.constant 0 : i32
    %c0_i32_0 = arith.constant 0 : i32
    return %arg0, %c0_i32 : i32, i32
  }
  func.func @transform_3(%arg0: i32) -> (i32, i32) {
    %c0_i32 = arith.constant 0 : i32
    %c0_i32_0 = arith.constant 0 : i32
    %c0_i32_1 = arith.constant 0 : i32
    return %c0_i32, %c0_i32_0 : i32, i32
  }
  func.func @transform_4(%arg0: i32) -> (i32, i32) {
    %c0_i32 = arith.constant 0 : i32
    %c0_i32_0 = arith.constant 0 : i32
    %c0_i32_1 = arith.constant 0 : i32
    return %c0_i32, %c0_i32_0 : i32, i32
  }
  func.func @transform_5(%arg0: i32) -> (i32, i32) {
    %c0_i32 = arith.constant 0 : i32
    %c0_i32_0 = arith.constant 0 : i32
    %c0_i32_1 = arith.constant 0 : i32
    return %c0_i32, %c0_i32_0 : i32, i32
  }
  func.func @transform_6(%arg0: i32) -> (i32, i32) {
    %c0_i32 = arith.constant 0 : i32
    %c0_i32_0 = arith.constant 0 : i32
    %c0_i32_1 = arith.constant 0 : i32
    return %c0_i32, %c0_i32_0 : i32, i32
  }
  func.func @transform_7(%arg0: i32) -> (i32, i32) {
    %c0_i32 = arith.constant 0 : i32
    %c0_i32_0 = arith.constant 0 : i32
    %c0_i32_1 = arith.constant 0 : i32
    return %c0_i32, %c0_i32_0 : i32, i32
  }
  func.func @transform_8(%arg0: i32) -> (i32, i32) {
    %c0_i32 = arith.constant 0 : i32
    %c0_i32_0 = arith.constant 0 : i32
    %c0_i32_1 = arith.constant 0 : i32
    return %c0_i32, %c0_i32_0 : i32, i32
  }
  func.func @transform_9(%arg0: i32) -> (i32, i32) {
    %c0_i32 = arith.constant 0 : i32
    %c0_i32_0 = arith.constant 0 : i32
    %c0_i32_1 = arith.constant 0 : i32
    return %c0_i32, %c0_i32_0 : i32, i32
  }
  func.func @transform_10(%arg0: i32) -> (i32, i32) {
    %c0_i32 = arith.constant 0 : i32
    %c0_i32_0 = arith.constant 0 : i32
    %c0_i32_1 = arith.constant 0 : i32
    return %c0_i32, %c0_i32_0 : i32, i32
  }
}

module attributes {stable_mosaic.version = 14 : i64} {
  func.func @_head_body(%arg0: memref<16x16xf32, #tpu.memory_space<vmem>>, %arg1: memref<1x16xf32, #tpu.memory_space<vmem>>, %arg2: memref<1x16xf32, #tpu.memory_space<vmem>>, %arg3: memref<16x256xf32, #tpu.memory_space<vmem>>, %arg4: memref<16x256xf32, #tpu.memory_space<vmem>>, %arg5: memref<272x512xf32, #tpu.memory_space<vmem>>, %arg6: memref<1x512xf32, #tpu.memory_space<vmem>>, %arg7: memref<512x512xf32, #tpu.memory_space<vmem>>, %arg8: memref<1x512xf32, #tpu.memory_space<vmem>>, %arg9: memref<512x1xf32, #tpu.memory_space<vmem>>, %arg10: memref<1x1xf32, #tpu.memory_space<vmem>>, %arg11: memref<16x1xf32, #tpu.memory_space<vmem>>) attributes {dimension_semantics = [], scalar_prefetch = 0 : i64, scratch_operands = 0 : i64, tpu.core_type = #tpu.core_type<tc>} {
    %get3A = arith.constant 0 : index
    %get3A_0 = arith.constant 0 : index
    %get3A_1 = vector.load %arg0[%get3A, %get3A_0] : memref<16x16xf32, #tpu.memory_space<vmem>>, vector<16x16xf32>
    %reduce_sum3A = arith.constant dense<0.000000e+00> : vector<16xf32>
    %reduce_sum3A_2 = vector.multi_reduction <add>, %get3A_1, %reduce_sum3A [0] : vector<16x16xf32> to vector<16xf32>
    %broadcast_in_dim3A = vector.shape_cast %reduce_sum3A_2 : vector<16xf32> to vector<1x16xf32>
    %div3A = arith.constant 1.600000e+01 : f32
    %div3A_3 = vector.broadcast %div3A : f32 to vector<1x16xf32>
    %div3A_4 = arith.divf %broadcast_in_dim3A, %div3A_3 : vector<1x16xf32>
    %sub3A = vector.broadcast %div3A_4 : vector<1x16xf32> to vector<16x16xf32>
    %sub3A_5 = arith.subf %get3A_1, %sub3A : vector<16x16xf32>
    %mul3A = arith.mulf %sub3A_5, %sub3A_5 : vector<16x16xf32>
    %reduce_sum3A_6 = arith.constant dense<0.000000e+00> : vector<16xf32>
    %reduce_sum3A_7 = vector.multi_reduction <add>, %mul3A, %reduce_sum3A_6 [0] : vector<16x16xf32> to vector<16xf32>
    %broadcast_in_dim3A_8 = vector.shape_cast %reduce_sum3A_7 : vector<16xf32> to vector<1x16xf32>
    %div3A_9 = arith.constant 1.600000e+01 : f32
    %div3A_10 = vector.broadcast %div3A_9 : f32 to vector<1x16xf32>
    %div3A_11 = arith.divf %broadcast_in_dim3A_8, %div3A_10 : vector<1x16xf32>
    %add3A = arith.constant 9.99999974E-6 : f32
    %add3A_12 = vector.broadcast %add3A : f32 to vector<1x16xf32>
    %add3A_13 = arith.addf %div3A_11, %add3A_12 : vector<1x16xf32>
    %sqrt3A = math.sqrt %add3A_13 : vector<1x16xf32>
    %div3A_14 = vector.broadcast %sqrt3A : vector<1x16xf32> to vector<16x16xf32>
    %div3A_15 = arith.divf %sub3A_5, %div3A_14 : vector<16x16xf32>
    %get3A_16 = arith.constant 0 : index
    %get3A_17 = arith.constant 0 : index
    %get3A_18 = vector.load %arg1[%get3A_16, %get3A_17] : memref<1x16xf32, #tpu.memory_space<vmem>>, vector<1x16xf32>
    %mul3A_19 = vector.broadcast %get3A_18 : vector<1x16xf32> to vector<16x16xf32>
    %mul3A_20 = arith.mulf %div3A_15, %mul3A_19 : vector<16x16xf32>
    %get3A_21 = arith.constant 0 : index
    %get3A_22 = arith.constant 0 : index
    %get3A_23 = vector.load %arg2[%get3A_21, %get3A_22] : memref<1x16xf32, #tpu.memory_space<vmem>>, vector<1x16xf32>
    %add3A_24 = vector.broadcast %get3A_23 : vector<1x16xf32> to vector<16x16xf32>
    %add3A_25 = arith.addf %mul3A_20, %add3A_24 : vector<16x16xf32>
    %get3A_26 = arith.constant 0 : index
    %get3A_27 = arith.constant 0 : index
    %get3A_28 = vector.load %arg3[%get3A_26, %get3A_27] : memref<16x256xf32, #tpu.memory_space<vmem>>, vector<16x256xf32>
    %get3A_29 = arith.constant 0 : index
    %get3A_30 = arith.constant 0 : index
    %get3A_31 = vector.load %arg4[%get3A_29, %get3A_30] : memref<16x256xf32, #tpu.memory_space<vmem>>, vector<16x256xf32>
    %max3A = arith.constant 1.000000e+00 : f32
    %max3A_32 = vector.broadcast %max3A : f32 to vector<16x256xf32>
    %max3A_33 = arith.maximumf %get3A_31, %max3A_32 : vector<16x256xf32>
    %div3A_34 = arith.divf %get3A_28, %max3A_33 : vector<16x256xf32>
    %concatenate3A = tpu.concatenate %add3A_25, %div3A_34 in 1 : vector<16x16xf32>, vector<16x256xf32> -> vector<16x272xf32>
    %get3A_35 = arith.constant 0 : index
    %get3A_36 = arith.constant 0 : index
    %get3A_37 = vector.load %arg5[%get3A_35, %get3A_36] : memref<272x512xf32, #tpu.memory_space<vmem>>, vector<272x512xf32>
    %dot_general3A = arith.constant dense<0.000000e+00> : vector<16x512xf32>
    %dot_general3A_38 = tpu.matmul %concatenate3A, %get3A_37, %dot_general3A {dimension_numbers = #tpu.dot_dimension_numbers<[1], [0], [0], [1], [0, 0, 1, 1], [], []>, transpose_lhs_hint = false} : vector<16x272xf32>, vector<272x512xf32>, vector<16x512xf32> -> vector<16x512xf32>
    %get3A_39 = arith.constant 0 : index
    %get3A_40 = arith.constant 0 : index
    %get3A_41 = vector.load %arg6[%get3A_39, %get3A_40] : memref<1x512xf32, #tpu.memory_space<vmem>>, vector<1x512xf32>
    %add3A_42 = vector.broadcast %get3A_41 : vector<1x512xf32> to vector<16x512xf32>
    %add3A_43 = arith.addf %dot_general3A_38, %add3A_42 : vector<16x512xf32>
    %max3A_44 = arith.constant 0.000000e+00 : f32
    %max3A_45 = vector.broadcast %max3A_44 : f32 to vector<16x512xf32>
    %max3A_46 = arith.maximumf %add3A_43, %max3A_45 : vector<16x512xf32>
    %get3A_47 = arith.constant 0 : index
    %get3A_48 = arith.constant 0 : index
    %get3A_49 = vector.load %arg7[%get3A_47, %get3A_48] : memref<512x512xf32, #tpu.memory_space<vmem>>, vector<512x512xf32>
    %dot_general3A_50 = arith.constant dense<0.000000e+00> : vector<16x512xf32>
    %dot_general3A_51 = tpu.matmul %max3A_46, %get3A_49, %dot_general3A_50 {dimension_numbers = #tpu.dot_dimension_numbers<[1], [0], [0], [1], [0, 0, 1, 1], [], []>, transpose_lhs_hint = false} : vector<16x512xf32>, vector<512x512xf32>, vector<16x512xf32> -> vector<16x512xf32>
    %get3A_52 = arith.constant 0 : index
    %get3A_53 = arith.constant 0 : index
    %get3A_54 = vector.load %arg8[%get3A_52, %get3A_53] : memref<1x512xf32, #tpu.memory_space<vmem>>, vector<1x512xf32>
    %add3A_55 = vector.broadcast %get3A_54 : vector<1x512xf32> to vector<16x512xf32>
    %add3A_56 = arith.addf %dot_general3A_51, %add3A_55 : vector<16x512xf32>
    %max3A_57 = arith.constant 0.000000e+00 : f32
    %max3A_58 = vector.broadcast %max3A_57 : f32 to vector<16x512xf32>
    %max3A_59 = arith.maximumf %add3A_56, %max3A_58 : vector<16x512xf32>
    %get3A_60 = arith.constant 0 : index
    %get3A_61 = arith.constant 0 : index
    %get3A_62 = vector.load %arg9[%get3A_60, %get3A_61] : memref<512x1xf32, #tpu.memory_space<vmem>>, vector<512x1xf32>
    %dot_general3A_63 = arith.constant dense<0.000000e+00> : vector<16x1xf32>
    %dot_general3A_64 = tpu.matmul %max3A_59, %get3A_62, %dot_general3A_63 {dimension_numbers = #tpu.dot_dimension_numbers<[1], [0], [0], [1], [0, 0, 1, 1], [], []>, transpose_lhs_hint = false} : vector<16x512xf32>, vector<512x1xf32>, vector<16x1xf32> -> vector<16x1xf32>
    %get3A_65 = arith.constant 0 : index
    %get3A_66 = arith.constant 0 : index
    %get3A_67 = vector.load %arg10[%get3A_65, %get3A_66] : memref<1x1xf32, #tpu.memory_space<vmem>>, vector<1x1xf32>
    %add3A_68 = vector.broadcast %get3A_67 : vector<1x1xf32> to vector<16x1xf32>
    %add3A_69 = arith.addf %dot_general3A_64, %add3A_68 : vector<16x1xf32>
    %swap3A = arith.constant 0 : index
    %swap3A_70 = arith.constant 0 : index
    %swap3A_71 = vector.load %arg11[%swap3A, %swap3A_70] : memref<16x1xf32, #tpu.memory_space<vmem>>, vector<16x1xf32>
    tpu.vector_store %arg11[%swap3A, %swap3A_70], %add3A_69 {strides = array<i32>} : memref<16x1xf32, #tpu.memory_space<vmem>>, vector<16x1xf32>,
    return
  }
}

</mosaic_0001>

<sc_bundles>
// kernel: kernel.6.cloned.1.call-start
scs
__scs_entry_jumppad:
0x0: {  	(pc) =	sbr.rel $0x88, $3  }
0x1: {  	(tag) =	ssettag $0x0;
	lr =	simm.s32 $0x1  }
0x2: {  	[smem:$0x3F8E] =	sst lr;
	_ =	strace $0xD0000000  }
0x3: {  	_ = 	snop  }
0x4: {  	_ = 	snop  }
0x5: {  	_ = 	snop  }
0x6: {  	_ = 	snop  }
0x7: {  	_ = 	snop  }
__scs_overlays_trampoline_lowered:
0x8: {  	[smem:$0x3F9D] =	sst s0  }
0x9: {  	[smem:$0x3F9E] =	sst s1  }
0xa: {  	[smem:$0x3F9F] =	sst s2  }
0xb: {  	[smem:$0x3FA0] =	sst s3  }
0xc: {  	[smem:$0x3FA1] =	sst s4  }
0xd: {  	[smem:$0x3FA2] =	sst s5  }
0xe: {  	[smem:$0x3FA3] =	sst s6  }
0xf: {  	[smem:$0x3FA4] =	sst s7  }
0x10: {  	[smem:$0x3FA5] =	sst s8  }
0x11: {  	[smem:$0x3FA6] =	sst s9;
	s0 =	simm.s32 @!p0 $0x0  }
0x12: {  	s1 =	sld [smem:$0x3F8C];
	s0 =	simm.s32 @p0 $0x1  }
0x13: {  	[smem:$0x3FA7] =	sst s0;
	s0 =	simm.s32 @!p1 $0x0  }
0x14: {  	s2 =	sld [smem:$0x3F8B];
	s0 =	simm.s32 @p1 $0x1  }
0x15: {  	[smem:$0x3FA8] =	sst s0;
	s0 =	simm.s32 @!p2 $0x0  }
0x16: {  	s3 =	sld [smem:$0x3FDB];
	s0 =	simm.s32 @p2 $0x1  }
0x17: {  	s4 =	simm.s32 $0x1BF5;
	[smem:$0x3FAA] =	sst s0  }
0x18: {  	s0 =	sld [smem:$0x3F8D];
	_ =	swait.ge [sflag:s4], $0x0  }
0x19: {  	s7 =	sld [smem:$0x3F8E]  }
0x1a: {  	s8 =	sadd.s32 $0xFFFFE003, lr  }
0x1b: {  	s9 =	sadd.s32 $0xFFFFFEF7, lr;
	s5 =	simm.s32 $0xFFFFFFFF;
	p2 =	slt.u32 s8, $0xFFFFF086  }
0x1c: {  	p1 =	slt.u32 s9, $0xF7A;
	s5 =	simm.s32 @!p2 $0x0  }
0x1d: {  	s5 =	simm.s32 @p1 $0x1;
	p0 =	seq.s32 s7, s2  }
0x1e: {  	s7 =	smul.u32 @!p0 $0xF7A, s2;
	p2 =	seq.s32 @!p0 s5, $0x0  }
0x1f: {  	s9 =	smul.u32 $0xF7A, s1;
	s8 =	simm.s32 @!p0 $0x1BF5;
	p2 =	por !p2, p0  }
0x20: {  	[sflag:s8] =	ssyncset.s32 @!p0 $0xFFFFF086;
	s6 =	sadd.s32 @!p0 s3, s7;
	s7 =	simm.s32 @!p0 $0x108  }
0x21: {  	s3 =	sadd.s32 s3, s9;
	s6 =	sadd.s32 @!p0 $0x88, s6;
	s7 =	simm.s32 @p2 $0x1082  }
0x22: {  	[simem:s7], [sflag:s8] =	dma.local @!p0 [hbm:s6], $0xF7A  }
0x23: {  	s9 =	sor.u32 $0xD0000000, s2;
	s6 =	simm.s32 $0x108;
	_ =	swait.ge @!p0 [sflag:s8], $0x0  }
0x24: {  	s3 =	sadd.s32 $0x88, s3;
	s6 =	simm.s32 @!p1 $0x1082;
	[sflag:s4] =	ssyncset.s32 $0xFFFFF086  }
0x25: {  	[simem:s6], [sflag:s4] =	dma.local [hbm:s3], $0xF7A  }
0x26: {  	[smem:$0x3F8E] =	sst s1;
	(tag) =	ssettag s2;
	_ =	strace s9  }
0x27: {  	s1 =	sld [smem:$0x3F9E]  }
0x28: {  	s2 =	sld [smem:$0x3F9F]  }
0x29: {  	s4 =	sld [smem:$0x3FA1]  }
0x2a: {  	p0 =	seq.s32 s5, $0x0;
	s5 =	sld [smem:$0x3FA2]  }
0x2b: {  	s6 =	sld [smem:$0x3FA3]  }
0x2c: {  	s7 =	sld [smem:$0x3FA4]  }
0x2d: {  	s3 =	simm.s32 $0x108;
	s8 =	sld [smem:$0x3FA5]  }
0x2e: {  	s3 =	simm.s32 @!p0 $0x1082;
	s9 =	sld [smem:$0x3FA6]  }
0x2f: {  	lr =	sadd.s32 s0, s3;
	s0 =	sld [smem:$0x3F9D]  }
0x30: {  	s3 =	sld [smem:$0x3FA0]  }
0x31: {  	[smem:$0x3FA9] =	sst s10  }
0x32: {  	s10 =	sld [smem:$0x3FA7];
	_ =	sdelay $0x3  }
0x33: {  	p0 =	seq.s32 s10, $0x1;
	s10 =	sld [smem:$0x3FA9];
	_ =	sdelay $0x3  }
0x34: {  	[smem:$0x3FA9] =	sst s10  }
0x35: {  	s10 =	sld [smem:$0x3FA8];
	_ =	sdelay $0x3  }
0x36: {  	p1 =	seq.s32 s10, $0x1;
	s10 =	sld [smem:$0x3FA9];
	_ =	sdelay $0x3  }
0x37: {  	[smem:$0x3FA9] =	sst s10  }
0x38: {  	s10 =	sld [smem:$0x3FAA]  }
0x39: {  	_ = 	snop;
	(pc) =	sbr.ind lr, $3  }
0x3a: {  	_ = 	snop  }
0x3b: {  	_ = 	snop  }
0x3c: {  	p2 =	seq.s32 s10, $0x1;
	s10 =	sld [smem:$0x3FA9]  }
0x3d: {  	_ =	shalt  }
0x3e: {  	_ =	shalt  }
0x3f: {  	_ =	shalt  }
0x40: {  	_ =	shalt  }
0x41: {  	_ =	shalt  }
0x42: {  	_ =	shalt  }
0x43: {  	_ =	shalt  }
0x44: {  	_ =	shalt  }
0x45: {  	_ =	shalt  }
0x46: {  	_ =	shalt  }
0x47: {  	_ =	shalt  }
0x48: {  	_ =	shalt  }
0x49: {  	_ =	shalt  }
0x4a: {  	_ =	shalt  }
0x4b: {  	_ =	shalt  }
0x4c: {  	_ =	shalt  }
0x4d: {  	_ =	shalt  }
0x4e: {  	_ =	shalt  }
0x4f: {  	_ =	shalt  }
0x50: {  	_ =	shalt  }
0x51: {  	_ =	shalt  }
0x52: {  	_ =	shalt  }
0x53: {  	_ =	shalt  }
0x54: {  	_ =	shalt  }
0x55: {  	_ =	shalt  }
0x56: {  	_ =	shalt  }
0x57: {  	_ =	shalt  }
0x58: {  	_ =	shalt  }
0x59: {  	_ =	shalt  }
0x5a: {  	_ =	shalt  }
0x5b: {  	_ =	shalt  }
0x5c: {  	_ =	shalt  }
0x5d: {  	_ =	shalt  }
0x5e: {  	_ =	shalt  }
0x5f: {  	_ =	shalt  }
0x60: {  	_ =	shalt  }
0x61: {  	_ =	shalt  }
0x62: {  	_ =	shalt  }
0x63: {  	_ =	shalt  }
0x64: {  	_ =	shalt  }
0x65: {  	_ =	shalt  }
0x66: {  	_ =	shalt  }
0x67: {  	_ =	shalt  }
0x68: {  	_ =	shalt  }
0x69: {  	_ =	shalt  }
0x6a: {  	_ =	shalt  }
0x6b: {  	_ =	shalt  }
0x6c: {  	_ =	shalt  }
0x6d: {  	_ =	shalt  }
0x6e: {  	_ =	shalt  }
0x6f: {  	_ =	shalt  }
0x70: {  	_ =	shalt  }
0x71: {  	_ =	shalt  }
0x72: {  	_ =	shalt  }
0x73: {  	_ =	shalt  }
0x74: {  	_ =	shalt  }
0x75: {  	_ =	shalt  }
0x76: {  	_ =	shalt  }
0x77: {  	_ =	shalt  }
0x78: {  	_ =	shalt  }
0x79: {  	_ =	shalt  }
0x7a: {  	_ =	shalt  }
0x7b: {  	_ =	shalt  }
0x7c: {  	_ =	shalt  }
0x7d: {  	_ =	shalt  }
0x7e: {  	_ =	shalt  }
0x7f: {  	_ =	shalt  }
0x80: {  	_ =	shalt  }
0x81: {  	_ =	shalt  }
0x82: {  	_ =	shalt  }
0x83: {  	_ =	shalt  }
0x84: {  	_ =	shalt  }
0x85: {  	_ =	shalt  }
0x86: {  	_ =	shalt  }
0x87: {  	_ =	shalt  }
.Lfunc_end0:
.L_simem_size_0:
called_computation_lowered:
.L_overlay_start_0:
0x88: {  	s2 =	sld [smem:$0x3FD9]  }
0x89: {  	s3 =	sld [smem:$0x3FFE];
	_ =	sdelay $0x1  }
0x8a: {  	s1 =	srdreg.scid  }
0x8b: {  	s0 =	sand.u32 $0x1, s1  }
0x8c: {  	s16 =	sshll.u32 s0, $0xA;
	s2 =	sadd.s32 s3, s2  }
0x8d: {  	s2 =	sadd.s32 s2, s16  }
0x8e: {  	[smem:$0x3FB5] =	sst s2  }
0x8f: {  	_ = 	snop  }
0x90: {  	(tm) =	ssettm $0x1  }
0x91: {  	s17 =	sld [smem:$0x3FFB];
	_ =	sdelay $0x3  }
0x92: {  	_ =	strace s17  }
0x93: {  	s2 =	sld [smem:$0x3FFC];
	_ =	sdelay $0x3  }
0x94: {  	_ =	strace s2  }
0x95: {  	s2 =	sld [smem:$0x3FFD];
	_ =	sdelay $0x3  }
0x96: {  	_ =	strace s2  }
0x97: {  	_ =	strace $0x8FFFFFFF  }
0x98: {  	s18 =	sld [smem:$0x3FDB];
	_ =	sdelay $0x1  }
0x99: {  	s19 =	simm.s32 $_scs_section_size  }
0x9a: {  	s4 =	simm.s32 $_size__tile_overlayer_lowered;
	s5 =	simm.s32 $_tile_overlayer_lowered  }
0x9b: {  	s22 =	simm.s32 $0x1BFF;
	s21 =	sshll.u32 s5, $0x1;
	s2 =	sadd.s32 s19, s18  }
0x9c: {  	s6 =	simm.s32 $0x0;
	s20 =	sshll.u32 s4, $0x1;
	s4 =	sadd.s32 s21, s2  }
0x9d: {  	[timem:s6], [sflag:s22] =	dma.local [hbm:s4], s20  }
0x9e: {  	_ =	swait.ge [sflag:s22], s20  }
0x9f: {  	s3 =	ssub.s32 $0x0, s20;
	[sflag:s22] =	ssyncset.done $0x0  }
0xa0: {  	[sflag:s22] =	ssyncadd.s32 s3;
	_ =	sdelay $0x1  }
0xa1: {  	s23 =	simm.s32 $0x1B8B  }
0xa2: {  	_ =	swait.ge [sflag:s23], $0x1  }
0xa3: {  	[sflag:s23] =	ssyncset.done $0x0  }
0xa4: {  	s25 =	simm.s32 $0x1B8E;
	s24 =	sld [smem:$0x3FFE];
	[sflag:s23] =	ssyncadd.s32 $0xFFFFFFFF  }
0xa5: {  	s26 =	simm.s32 $execute0_lowered;
	[smem:$0x3FD2] =	sst s25  }
0xa6: {  	s4 =	sshll.u32 s26, $0x1;
	_ =	strace $0x80000046;
	[dreg:$0x1] =	wrdreg $0xFFFFFFFF  }
0xa7: {  	s28 =	simm.s32 $_size_execute0_lowered;
	s2 =	sadd.s32 s2, s4;
	[dreg:$0x0] =	wrdreg $0x0  }
0xa8: {  	s4 =	sshll.u32 s28, $0x1;
	[dreg:$0x2] =	wrdreg s2  }
0xa9: {  	[dreg:$0x3] =	wrdreg s4  }
0xaa: {  	[dreg:$0x4] =	wrdreg $0xC0  }
0xab: {  	_ =	task [dreg:s6], $0x5FFFF  }
0xac: {  	[dreg:$0x1] =	wrdreg $0xFFFFFFFF  }
0xad: {  	[dreg:$0x0] =	wrdreg $0x60  }
0xae: {  	[dreg:$0x2] =	wrdreg s24  }
0xaf: {  	[dreg:$0x3] =	wrdreg $0x9  }
0xb0: {  	_ =	task.clear_ibuf [dreg:s6], $0x4FFFF;
	_ =	strace $0x90000046  }
0xb1: {  	s29 =	simm.s32 $0x9;
	_ =	strace $0x80000048  }
0xb2: {  	_ =	swait.ge [sflag:s29], $0x1  }
0xb3: {  	[sflag:s29] =	ssyncadd.s32 $0xFFFFFFFF  }
0xb4: {  	_ =	strace $0x90000048  }
0xb5: {  	_ =	sfence  }
0xb6: {  	s30 =	sld [smem:$0x0];
	_ =	sdelay $0x2  }
0xb7: {  	s31 =	sshll.u32 s1, $0xD;
	s1 =	sshrl.u32 s1, $0x2  }
0xb8: {  	s3 =	sand.u32 $0x4000, s31;
	s1 =	sadd.s32 s1, s30  }
0xb9: {  	s0 =	sor.u32 s3, s0;
	s1 =	sshll.u32 s1, $0x11  }
0xba: {  	s0 =	sor.u32 s1, s0  }
0xbb: {  	s0 =	sadd.s32 $0x8F2B, s0  }
0xbc: {  	[sflag:s0] =	ssyncadd.remote.s32 $0x1  }
0xbd: {  	_ =	sfence.sel $0xFFFF  }
0xbe: {  	[dreg:$0x0] =	wrdreg $0xFFFFFFFF;
	(pc) =	sbr.abs _section_cstart, $3  }
0xbf: {  	[dreg:$0x1] =	wrdreg $0xFFFFFFFF  }
0xc0: {  	_ =	task.clear_ibuf [dreg:s6], $0x2FFFF;
	_ =	strace $0x9FFFFFFF  }
0xc1: {  	(tm) =	ssettm $0x7FFFFFFF  }
tec
execute0_lowered:
.L_overlay_start_1:
0x0: {  	(tag) =	ssettag $0x1  }
0x1: {  	s1 =	srdreg.scid  }
0x2: {  	s0 =	stileid.u32;
	s14 =	sand.u32 $0x1, s1  }
0x3: {  	s8 =	rddreg [dreg:$0x0];
	s3 =	sshll.u32 s0, $0xC;
	s4 =	sshll.u32 s14, $0xB  }
0x4: {  	s2 =	simm.s32 $0x0;
	s1 =	rddreg [dreg:$0x1];
	s13 =	sor.u32 s4, s3  }
0x5: {  	[smem:$0x7FF] =	sst s2;
	s15 =	sadd.s32 $0x11C00, s8;
	s3 =	sshrl.u32 s13, $0x3  }
0x6: {  	_ =	strace $0x80000047;
	s4 =	sadd.s32 s15, s3;
	s3 =	simm.s32 $0x2  }
0x7: {  	[tilespmem:s2], [sflag:$0x2] =	stream.linear.gather [hbm4b:s4+s2], $0x200, $0x38;
	[tilespmem:$0x10200] =	vst v63  }
0x8: {  	_ =	swait.ge [sflag:s3], $0x200  }
0x9: {  	s6 =	simm.s32 $0x200;
	[sflag:s3] =	ssyncset.done $0x0  }
0xa: {  	s7 =	simm.s32 $0x1;
	s5 =	sadd.s32 $0x1C00, s8;
	[sflag:s3] =	ssyncadd.s32 $0xFFFFFE00  }
0xb: {  	[tilespmem:s6], [sflag:$0x1] =	stream.indirect.gather [hbm4b:s5+s6], $0x80, s2, s6, $0xb8;
	[tilespmem:$0x10200] =	vst v63  }
0xc: {  	_ =	swait.ge [sflag:s7], $0x10000  }
0xd: {  	s16 =	sadd.s32 $0x13C00, s8;
	s29 =	sshll.u32 s13, $0x4;
	[sflag:s7] =	ssyncset.done $0x0  }
0xe: {  	s8 =	sadd.s32 s16, s29;
	[sflag:s7] =	ssyncadd.s32 $0xFFFF0000  }
0xf: {  	[hbm4b:s8+s2] =	stream.linear.scatter [tilespmem:s6], [sflag:$0x2], $0x10000, $0x38;
	[tilespmem:$0x10200] =	vst v63  }
0x10: {  	s10 =	sor.u32 $0x200, s13;
	_ =	swait.ge [sflag:s3], $0x10000  }
0x11: {  	s9 =	sshrl.u32 s10, $0x3;
	[sflag:s3] =	ssyncset.done $0x0  }
0x12: {  	s9 =	sadd.s32 s15, s9;
	[sflag:s3] =	ssyncadd.s32 $0xFFFF0000  }
0x13: {  	[tilespmem:s2], [sflag:$0x2] =	stream.linear.gather [hbm4b:s9+s2], $0x200, $0x38;
	[tilespmem:$0x10200] =	vst v63  }
0x14: {  	_ =	swait.ge [sflag:s3], $0x200  }
0x15: {  	[sflag:s3] =	ssyncset.done $0x0  }
0x16: {  	[sflag:s3] =	ssyncadd.s32 $0xFFFFFE00  }
0x17: {  	[tilespmem:s6], [sflag:$0x1] =	stream.indirect.gather [hbm4b:s5+s6], $0x80, s2, s6, $0xb8;
	[tilespmem:$0x10200] =	vst v63  }
0x18: {  	_ =	swait.ge [sflag:s7], $0x10000  }
0x19: {  	s10 =	sshll.u32 s10, $0x4;
	[sflag:s7] =	ssyncset.done $0x0  }
0x1a: {  	s10 =	sadd.s32 s16, s10;
	[sflag:s7] =	ssyncadd.s32 $0xFFFF0000  }
0x1b: {  	[hbm4b:s10+s2] =	stream.linear.scatter [tilespmem:s6], [sflag:$0x2], $0x10000, $0x38;
	[tilespmem:$0x10200] =	vst v63  }
0x1c: {  	s12 =	sor.u32 $0x400, s13;
	_ =	swait.ge [sflag:s3], $0x10000  }
0x1d: {  	s11 =	sshrl.u32 s12, $0x3;
	[sflag:s3] =	ssyncset.done $0x0  }
0x1e: {  	s11 =	sadd.s32 s15, s11;
	[sflag:s3] =	ssyncadd.s32 $0xFFFF0000  }
0x1f: {  	[tilespmem:s2], [sflag:$0x2] =	stream.linear.gather [hbm4b:s11+s2], $0x200, $0x38;
	[tilespmem:$0x10200] =	vst v63  }
0x20: {  	_ =	swait.ge [sflag:s3], $0x200  }
0x21: {  	[sflag:s3] =	ssyncset.done $0x0  }
0x22: {  	[sflag:s3] =	ssyncadd.s32 $0xFFFFFE00  }
0x23: {  	[tilespmem:s6], [sflag:$0x1] =	stream.indirect.gather [hbm4b:s5+s6], $0x80, s2, s6, $0xb8;
	[tilespmem:$0x10200] =	vst v63  }
0x24: {  	_ =	swait.ge [sflag:s7], $0x10000  }
0x25: {  	s12 =	sshll.u32 s12, $0x4;
	[sflag:s7] =	ssyncset.done $0x0  }
0x26: {  	s12 =	sadd.s32 s16, s12;
	[sflag:s7] =	ssyncadd.s32 $0xFFFF0000  }
0x27: {  	[hbm4b:s12+s2] =	stream.linear.scatter [tilespmem:s6], [sflag:$0x2], $0x10000, $0x38;
	[tilespmem:$0x10200] =	vst v63  }
0x28: {  	s17 =	sor.u32 $0x600, s13;
	_ =	swait.ge [sflag:s3], $0x10000  }
0x29: {  	s13 =	sshrl.u32 s17, $0x3;
	[sflag:s3] =	ssyncset.done $0x0  }
0x2a: {  	s14 =	ssub.s32 $0x2, s14;
	s13 =	sadd.s32 s15, s13;
	[sflag:s3] =	ssyncadd.s32 $0xFFFF0000  }
0x2b: {  	[tilespmem:s2], [sflag:$0x2] =	stream.linear.gather [hbm4b:s13+s2], $0x200, $0x38;
	[tilespmem:$0x10200] =	vst v63  }
0x2c: {  	s30 =	sshrl.u32 s14, $0x1;
	_ =	swait.ge [sflag:s3], $0x200  }
0x2d: {  	s15 =	ssub.s32 s14, s30;
	[sflag:s3] =	ssyncset.done $0x0  }
0x2e: {  	s15 =	smax.u32 s15, $0x1;
	[sflag:s3] =	ssyncadd.s32 $0xFFFFFE00  }
0x2f: {  	[tilespmem:s6], [sflag:$0x1] =	stream.indirect.gather [hbm4b:s5+s6], $0x80, s2, s6, $0xb8;
	[tilespmem:$0x10200] =	vst v63  }
0x30: {  	p0 =	sne.s32 s15, $0x1;
	_ =	swait.ge [sflag:s7], $0x10000  }
.Ltmp0:
0x31: {  	s31 =	sshll.u32 s17, $0x4;
	[sflag:s7] =	ssyncset.done $0x0;
	(pc) =	sbr.rel @!p0 .LBB2_2-.Ltmp0, $4  }
0x32: {  	s14 =	sadd.s32 s16, s31;
	[sflag:s7] =	ssyncadd.s32 $0xFFFF0000  }
0x33: {  	[hbm4b:s14+s2] =	stream.linear.scatter [tilespmem:s6], [sflag:$0x2], $0x10000, $0x38;
	[tilespmem:$0x10200] =	vst v63  }
0x34: {  	_ =	swait.ge [sflag:s3], $0x10000  }
0x35: {  	s15 =	sadd.s32 $0xFFFFFFFF, s15;
	[sflag:s3] =	ssyncset.done $0x0  }
.LBB2_1:
0x36: {  	p0 =	sne.s32 s15, $0x1;
	s15 =	sadd.s32 $0xFFFFFFFF, s15;
	[sflag:s3] =	ssyncadd.s32 $0xFFFF0000  }
0x37: {  	[tilespmem:s2], [sflag:$0x2] =	stream.linear.gather [hbm4b:s4+s2], $0x200, $0x38;
	[tilespmem:$0x10200] =	vst v63  }
0x38: {  	_ =	swait.ge [sflag:s3], $0x200  }
0x39: {  	[sflag:s3] =	ssyncset.done $0x0  }
0x3a: {  	[sflag:s3] =	ssyncadd.s32 $0xFFFFFE00  }
0x3b: {  	[tilespmem:s6], [sflag:$0x1] =	stream.indirect.gather [hbm4b:s5+s6], $0x80, s2, s6, $0xb8;
	[tilespmem:$0x10200] =	vst v63  }
0x3c: {  	_ =	swait.ge [sflag:s7], $0x10000  }
0x3d: {  	[sflag:s7] =	ssyncset.done $0x0  }
0x3e: {  	[sflag:s7] =	ssyncadd.s32 $0xFFFF0000  }
0x3f: {  	[hbm4b:s8+s2] =	stream.linear.scatter [tilespmem:s6], [sflag:$0x2], $0x10000, $0x38;
	[tilespmem:$0x10200] =	vst v63  }
0x40: {  	_ =	swait.ge [sflag:s3], $0x10000  }
0x41: {  	[sflag:s3] =	ssyncset.done $0x0  }
0x42: {  	[sflag:s3] =	ssyncadd.s32 $0xFFFF0000  }
0x43: {  	[tilespmem:s2], [sflag:$0x2] =	stream.linear.gather [hbm4b:s9+s2], $0x200, $0x38;
	[tilespmem:$0x10200] =	vst v63  }
0x44: {  	_ =	swait.ge [sflag:s3], $0x200  }
0x45: {  	[sflag:s3] =	ssyncset.done $0x0  }
0x46: {  	[sflag:s3] =	ssyncadd.s32 $0xFFFFFE00  }
0x47: {  	[tilespmem:s6], [sflag:$0x1] =	stream.indirect.gather [hbm4b:s5+s6], $0x80, s2, s6, $0xb8;
	[tilespmem:$0x10200] =	vst v63  }
0x48: {  	_ =	swait.ge [sflag:s7], $0x10000  }
0x49: {  	[sflag:s7] =	ssyncset.done $0x0  }
0x4a: {  	[sflag:s7] =	ssyncadd.s32 $0xFFFF0000  }
0x4b: {  	[hbm4b:s10+s2] =	stream.linear.scatter [tilespmem:s6], [sflag:$0x2], $0x10000, $0x38;
	[tilespmem:$0x10200] =	vst v63  }
0x4c: {  	_ =	swait.ge [sflag:s3], $0x10000  }
0x4d: {  	[sflag:s3] =	ssyncset.done $0x0  }
0x4e: {  	[sflag:s3] =	ssyncadd.s32 $0xFFFF0000  }
0x4f: {  	[tilespmem:s2], [sflag:$0x2] =	stream.linear.gather [hbm4b:s11+s2], $0x200, $0x38;
	[tilespmem:$0x10200] =	vst v63  }
0x50: {  	_ =	swait.ge [sflag:s3], $0x200  }
0x51: {  	[sflag:s3] =	ssyncset.done $0x0  }
0x52: {  	[sflag:s3] =	ssyncadd.s32 $0xFFFFFE00  }
0x53: {  	[tilespmem:s6], [sflag:$0x1] =	stream.indirect.gather [hbm4b:s5+s6], $0x80, s2, s6, $0xb8;
	[tilespmem:$0x10200] =	vst v63  }
0x54: {  	_ =	swait.ge [sflag:s7], $0x10000  }
0x55: {  	[sflag:s7] =	ssyncset.done $0x0  }
0x56: {  	[sflag:s7] =	ssyncadd.s32 $0xFFFF0000  }
0x57: {  	[hbm4b:s12+s2] =	stream.linear.scatter [tilespmem:s6], [sflag:$0x2], $0x10000, $0x38;
	[tilespmem:$0x10200] =	vst v63  }
0x58: {  	_ =	swait.ge [sflag:s3], $0x10000  }
0x59: {  	[sflag:s3] =	ssyncset.done $0x0  }
0x5a: {  	[sflag:s3] =	ssyncadd.s32 $0xFFFF0000  }
0x5b: {  	[tilespmem:s2], [sflag:$0x2] =	stream.linear.gather [hbm4b:s13+s2], $0x200, $0x38;
	[tilespmem:$0x10200] =	vst v63  }
0x5c: {  	_ =	swait.ge [sflag:s3], $0x200  }
0x5d: {  	[sflag:s3] =	ssyncset.done $0x0  }
0x5e: {  	[sflag:s3] =	ssyncadd.s32 $0xFFFFFE00  }
0x5f: {  	[tilespmem:s6], [sflag:$0x1] =	stream.indirect.gather [hbm4b:s5+s6], $0x80, s2, s6, $0xb8;
	[tilespmem:$0x10200] =	vst v63  }
0x60: {  	_ =	swait.ge [sflag:s7], $0x10000  }
.Ltmp1:
0x61: {  	[sflag:s7] =	ssyncset.done $0x0;
	(pc) =	sbr.rel @p0 .LBB2_1-.Ltmp1, $4  }
0x62: {  	[sflag:s7] =	ssyncadd.s32 $0xFFFF0000  }
0x63: {  	[hbm4b:s14+s2] =	stream.linear.scatter [tilespmem:s6], [sflag:$0x2], $0x10000, $0x38;
	[tilespmem:$0x10200] =	vst v63  }
0x64: {  	_ =	swait.ge [sflag:s3], $0x10000  }
0x65: {  	[sflag:s3] =	ssyncset.done $0x0  }
.LBB2_2:
0x66: {  	[sflag:s3] =	ssyncadd.s32 $0xFFFF0000  }
0x67: {  	_ =	sfence.sel $0x180000  }
0x68: {  	[bflag:$0x0] =	sbarrier.arrive $0xFFFF  }
0x69: {  	p0 =	sne.s32 s0, $0x0;
	_ =	strace $0x90000047  }
0x6a: {  	s0 =	sadd.s32 @!p0 $0x100000, s1;
	[bflag:$0x2] =	sbarrier.arrive $0xFFFF  }
0x6b: {  	[sflag:s0] =	ssyncadd.tile.s32 @!p0 $0x1;
	_ =	shalt  }
.Lfunc_end2:
_tile_overlayer_lowered:
.L_overlay_start_2:
0x6c: {  	(tag) =	ssettag $0x2  }
0x6d: {  	s0 =	rddreg [dreg:$0x0];
	s2 =	stileid.u32  }
0x6e: {  	s1 =	rddreg [dreg:$0x1];
	p0 =	sne.s32 s2, $0x0  }
0x6f: {  	s3 =	rddreg [dreg:$0x2];
	[bflag:$0x3] =	sbarrier.arrive $0xFFFF;
	s2 =	simm.s32 @!p0 $0x1C02  }
0x70: {  	[timem:s3], [sflag:s2] =	dma.local @!p0 [hbm:s0], s1  }
0x71: {  	s0 =	simm.s32 @!p0 $0x2  }
0x72: {  	_ =	swait.ge @!p0 [sflag:s0], s1  }
0x73: {  	s1 =	ssub.s32 @!p0 $0x0, s1;
	[sflag:s0] =	ssyncset.done @!p0 $0x0  }
0x74: {  	[sflag:s0] =	ssyncadd.s32 @!p0 s1  }
0x75: {  	[bflag:$0x3] =	sbarrier.arrive $0xFFFF  }
0x76: {  	_ =	shalt  }

</sc_bundles>
